<compile_context>
chip_gen: v7x
topology: tpu7x:2x2x1
jax: 0.10.2.dev20260603
libtpu: 0.0.44.dev20260713+nightly
codegen_flags: <defaults>
</compile_context>

<pallas_src>
import functools
import math

import jax
import jax.numpy as jnp
from jax import lax
from jax.experimental import pallas as pl
from jax.experimental.pallas import tpu as pltpu
from jax.experimental.pallas import tpu_sc as plsc

D_MODEL = 128
SCALE = math.sqrt(float(D_MODEL))

NUM_CORES = 2
NUM_SUBCORES = 16
NUM_WORKERS = NUM_CORES * NUM_SUBCORES
LANES = 16

CHUNK = 128
NBUF = 5
AHEAD = 3


@functools.partial(jax.jit, static_argnames=("nchunks",))
def _gather_scaled(idx, table, *, nchunks):
  total = NUM_WORKERS * nchunks * CHUNK
  assert nchunks % NBUF == 0 and AHEAD < NBUF

  mesh = plsc.VectorSubcoreMesh(
      core_axis_name="c", subcore_axis_name="s",
      num_cores=NUM_CORES, num_subcores=NUM_SUBCORES)

  @functools.partial(
      pl.kernel,
      out_type=jax.ShapeDtypeStruct((total, D_MODEL), jnp.float32),
      mesh=mesh,
      scratch_types=[
          pltpu.VMEM((nchunks, CHUNK), jnp.int32),
          pltpu.VMEM((NBUF, CHUNK, D_MODEL), jnp.float32),
          pltpu.SemaphoreType.DMA((NBUF,)),
          pltpu.SemaphoreType.DMA((NBUF,)),
      ],
  )
  def body(idx_hbm, table_hbm, out_hbm, idx_v, rows_v, gsem, wsem):
    wid = lax.axis_index("s") * NUM_CORES + lax.axis_index("c")
    base = wid * nchunks * CHUNK

    pltpu.sync_copy(idx_hbm.at[wid], idx_v)

    def launch(c, slot):
      pltpu.async_copy(table_hbm.at[idx_v.at[c]], rows_v.at[slot],
                       gsem.at[slot])

    def wait_write(c, slot):
      pltpu.make_async_copy(
          rows_v.at[slot],
          out_hbm.at[pl.ds(base + c * CHUNK, CHUNK)],
          wsem.at[slot]).wait()

    for c in range(AHEAD):
      launch(c, c)

    def group(g, _):
      for b in range(NBUF):
        i = g + b

        st = (b + AHEAD) % NBUF
        t = i + AHEAD

        @pl.when(t < nchunks)
        def _():
          @pl.when(t >= NBUF)
          def _():
            wait_write(t - NBUF, st)
          launch(t, st)

        pltpu.make_async_copy(table_hbm.at[idx_v.at[i]], rows_v.at[b],
                              gsem.at[b]).wait()

        def scale_row(r, _):
          for j in range(D_MODEL // LANES):
            sl = pl.ds(j * LANES, LANES)
            rows_v[b, r, sl] = rows_v[b, r, sl] * SCALE
          return ()

        lax.fori_loop(0, CHUNK, scale_row, ())

        pltpu.async_copy(rows_v.at[b],
                         out_hbm.at[pl.ds(base + i * CHUNK, CHUNK)],
                         wsem.at[b])
      return ()

    lax.fori_loop(0, nchunks // NBUF, lambda k, c: group(k * NBUF, c), ())

    for b in range(NBUF):
      wait_write(nchunks - NBUF + b, b)

  return body(idx, table)


def kernel(x, table):
  rows, cols = x.shape
  total = rows * cols
  b_per_w = total // NUM_WORKERS
  nchunks = b_per_w // CHUNK
  idx = x.reshape(NUM_WORKERS, nchunks, CHUNK).astype(jnp.int32)
  out = _gather_scaled(idx, table, nchunks=nchunks)
  return out.reshape(rows, cols, D_MODEL)

# --- scband reference (transcript-rebuilt; emitter-appended) ---
"""Pipeline reference for scband-embedder-33543694581948 (READ-ONLY COPY).

The authoritative reference and input builder live on the scoring server;
editing this copy changes nothing except your own understanding.
"""

import jax, jax.numpy as jnp
import numpy as np
import math

D_MODEL = 128
VOCAB_SIZE = 100000

def setup_inputs(seed: int = 0) -> dict:
    key = jax.random.key(seed)
    k1, k2 = jax.random.split(key)
    x = jax.random.randint(k1, (1024, 200), 0, VOCAB_SIZE, dtype=jnp.int64 if jax.config.jax_enable_x64 else jnp.int32)
    table = jax.random.normal(k2, (VOCAB_SIZE, D_MODEL), dtype=jnp.float32)
    return {"x": x, "table": table}

def reference(x, table):
    # Faithful to Embedder.forward: embedding(x) * sqrt(d_model)
    emb = jnp.take(table, x, axis=0)
    return emb * math.sqrt(D_MODEL)

if __name__ == "__main__":
    import jax
    _d = setup_inputs()
    print(jax.jit(kernel)(*tuple(_d.values())))

</pallas_src>

<mosaic_0001>
#map = affine_map<(d0, d1) -> (0, 0, 0)>
#map1 = affine_map<(d0, d1) -> (0, 0)>
module attributes {stable_mosaic.version = 14 : i64} {
  func.func @body(%arg0: i32, %arg1: i32, %arg2: memref<32x50x128xi32, #tpu.memory_space<hbm>>, %arg3: memref<100000x128xf32, #tpu.memory_space<hbm>>, %arg4: memref<204800x128xf32, #tpu.memory_space<hbm>>, %arg5: memref<50x128xi32, #tpu.memory_space<vmem>>, %arg6: memref<5x128x128xf32, #tpu.memory_space<vmem>>, %arg7: memref<5x!tpu.dma_semaphore, #tpu.memory_space<semaphore_mem>>, %arg8: memref<5x!tpu.dma_semaphore, #tpu.memory_space<semaphore_mem>>) attributes {dimension_semantics = [#tpu.dimension_semantics<core_parallel>, #tpu.dimension_semantics<subcore_parallel>], iteration_bounds = array<i64: 2, 16>, scalar_prefetch = 0 : i64, scratch_operands = 4 : i64, tpu.core_type = #tpu.core_type<sc_vector_subcore>, window_params = [{transform_indices = #map}, {transform_indices = #map1}, {transform_indices = #map1}]} {
    %mul3A = arith.constant 2 : i32
    %mul3A_0 = arith.muli %arg1, %mul3A : i32
    %add3A = arith.addi %mul3A_0, %arg0 : i32
    %mul3A_1 = arith.constant 50 : i32
    %mul3A_2 = arith.muli %add3A, %mul3A_1 : i32
    %mul3A_3 = arith.constant 128 : i32
    %mul3A_4 = arith.muli %mul3A_2, %mul3A_3 : i32
    "tpu.region"() ({
      %run_scoped3A = tpu.sem_alloc : memref<!tpu.dma_semaphore, #tpu.memory_space<semaphore_mem>>
      %dma_start3A_142 = arith.constant 0 : i32
      %dma_start3A_143 = arith.constant 0 : i32
      %dma_start3A_144 = tpu.memref_slice %arg2[%add3A, %dma_start3A_142, %dma_start3A_143] : memref<32x50x128xi32, #tpu.memory_space<hbm>> -> memref<1x50x128xi32, #tpu.memory_space<hbm>>
      %dma_start3A_145 = tpu.memref_squeeze %dma_start3A_144 : memref<1x50x128xi32, #tpu.memory_space<hbm>> -> memref<50x128xi32, #tpu.memory_space<hbm>>
      %dma_start3A_146 = arith.constant 0 : i32
      %dma_start3A_147 = arith.constant 0 : i32
      %dma_start3A_148 = tpu.memref_slice %arg2[%add3A, %dma_start3A_146, %dma_start3A_147] : memref<32x50x128xi32, #tpu.memory_space<hbm>> -> memref<1x50x128xi32, #tpu.memory_space<hbm>>
      %dma_start3A_149 = tpu.memref_squeeze %dma_start3A_148 : memref<1x50x128xi32, #tpu.memory_space<hbm>> -> memref<50x128xi32, #tpu.memory_space<hbm>>
      tpu.enqueue_dma source(%dma_start3A_149 : memref<50x128xi32, #tpu.memory_space<hbm>>) target(%arg5 : memref<50x128xi32, #tpu.memory_space<vmem>>) target_semaphore(%run_scoped3A : memref<!tpu.dma_semaphore, #tpu.memory_space<semaphore_mem>>)
      %dma_wait3A_150 = arith.constant 0 : i32
      %dma_wait3A_151 = arith.constant 0 : i32
      %dma_wait3A_152 = tpu.memref_slice %arg2[%add3A, %dma_wait3A_150, %dma_wait3A_151] : memref<32x50x128xi32, #tpu.memory_space<hbm>> -> memref<1x50x128xi32, #tpu.memory_space<hbm>>
      %dma_wait3A_153 = tpu.memref_squeeze %dma_wait3A_152 : memref<1x50x128xi32, #tpu.memory_space<hbm>> -> memref<50x128xi32, #tpu.memory_space<hbm>>
      %dma_wait3A_154 = arith.constant 0 : i32
      %dma_wait3A_155 = arith.constant 0 : i32
      %dma_wait3A_156 = tpu.memref_slice %arg2[%add3A, %dma_wait3A_154, %dma_wait3A_155] : memref<32x50x128xi32, #tpu.memory_space<hbm>> -> memref<1x50x128xi32, #tpu.memory_space<hbm>>
      %dma_wait3A_157 = tpu.memref_squeeze %dma_wait3A_156 : memref<1x50x128xi32, #tpu.memory_space<hbm>> -> memref<50x128xi32, #tpu.memory_space<hbm>>
      tpu.wait_dma2 semaphore(%run_scoped3A : memref<!tpu.dma_semaphore, #tpu.memory_space<semaphore_mem>>) src(%dma_wait3A_157 : memref<50x128xi32, #tpu.memory_space<hbm>>) dst(%arg5 : memref<50x128xi32, #tpu.memory_space<vmem>>)
      tpu.yield
    }) : () -> ()
    %dma_start3A = arith.constant 0 : i32
    %dma_start3A_5 = arith.constant 0 : i32
    %dma_start3A_6 = arith.constant 0 : i32
    %dma_start3A_7 = arith.constant 0 : i32
    %dma_start3A_8 = arith.constant 0 : i32
    %dma_start3A_9 = tpu.memref_slice %arg6[%dma_start3A_5, %dma_start3A_7, %dma_start3A_8] : memref<5x128x128xf32, #tpu.memory_space<vmem>> -> memref<1x128x128xf32, #tpu.memory_space<vmem>>
    %dma_start3A_10 = tpu.memref_squeeze %dma_start3A_9 : memref<1x128x128xf32, #tpu.memory_space<vmem>> -> memref<128x128xf32, #tpu.memory_space<vmem>>
    %dma_start3A_11 = arith.constant 0 : i32
    %dma_start3A_12 = tpu.memref_slice %arg5[%dma_start3A, %dma_start3A_11] : memref<50x128xi32, #tpu.memory_space<vmem>> -> memref<1x128xi32, #tpu.memory_space<vmem>>
    %dma_start3A_13 = tpu.memref_squeeze %dma_start3A_12 : memref<1x128xi32, #tpu.memory_space<vmem>> -> memref<128xi32, #tpu.memory_space<vmem>>
    %dma_start3A_14 = arith.constant 0 : i32
    %dma_start3A_15 = arith.constant 0 : i32
    %dma_start3A_16 = tpu.memref_slice %arg3[%dma_start3A_14, %dma_start3A_15] : memref<100000x128xf32, #tpu.memory_space<hbm>> -> memref<100000x128xf32, #tpu.memory_space<hbm>>
    %dma_start3A_17 = tpu.memref_slice %arg7[%dma_start3A_6] : memref<5x!tpu.dma_semaphore, #tpu.memory_space<semaphore_mem>> -> memref<1x!tpu.dma_semaphore, #tpu.memory_space<semaphore_mem>>
    %dma_start3A_18 = tpu.memref_squeeze %dma_start3A_17 : memref<1x!tpu.dma_semaphore, #tpu.memory_space<semaphore_mem>> -> memref<!tpu.dma_semaphore, #tpu.memory_space<semaphore_mem>>
    tpu.enqueue_indirect_dma source(%dma_start3A_16 : memref<100000x128xf32, #tpu.memory_space<hbm>>) target(%dma_start3A_10 : memref<128x128xf32, #tpu.memory_space<vmem>>) offsets(%dma_start3A_13 : memref<128xi32, #tpu.memory_space<vmem>>) semaphore(%dma_start3A_18 : memref<!tpu.dma_semaphore, #tpu.memory_space<semaphore_mem>>)
    %dma_start3A_19 = arith.constant 1 : i32
    %dma_start3A_20 = arith.constant 1 : i32
    %dma_start3A_21 = arith.constant 1 : i32
    %dma_start3A_22 = arith.constant 0 : i32
    %dma_start3A_23 = arith.constant 0 : i32
    %dma_start3A_24 = tpu.memref_slice %arg6[%dma_start3A_20, %dma_start3A_22, %dma_start3A_23] : memref<5x128x128xf32, #tpu.memory_space<vmem>> -> memref<1x128x128xf32, #tpu.memory_space<vmem>>
    %dma_start3A_25 = tpu.memref_squeeze %dma_start3A_24 : memref<1x128x128xf32, #tpu.memory_space<vmem>> -> memref<128x128xf32, #tpu.memory_space<vmem>>
    %dma_start3A_26 = arith.constant 0 : i32
    %dma_start3A_27 = tpu.memref_slice %arg5[%dma_start3A_19, %dma_start3A_26] : memref<50x128xi32, #tpu.memory_space<vmem>> -> memref<1x128xi32, #tpu.memory_space<vmem>>
    %dma_start3A_28 = tpu.memref_squeeze %dma_start3A_27 : memref<1x128xi32, #tpu.memory_space<vmem>> -> memref<128xi32, #tpu.memory_space<vmem>>
    %dma_start3A_29 = arith.constant 0 : i32
    %dma_start3A_30 = arith.constant 0 : i32
    %dma_start3A_31 = tpu.memref_slice %arg3[%dma_start3A_29, %dma_start3A_30] : memref<100000x128xf32, #tpu.memory_space<hbm>> -> memref<100000x128xf32, #tpu.memory_space<hbm>>
    %dma_start3A_32 = tpu.memref_slice %arg7[%dma_start3A_21] : memref<5x!tpu.dma_semaphore, #tpu.memory_space<semaphore_mem>> -> memref<1x!tpu.dma_semaphore, #tpu.memory_space<semaphore_mem>>
    %dma_start3A_33 = tpu.memref_squeeze %dma_start3A_32 : memref<1x!tpu.dma_semaphore, #tpu.memory_space<semaphore_mem>> -> memref<!tpu.dma_semaphore, #tpu.memory_space<semaphore_mem>>
    tpu.enqueue_indirect_dma source(%dma_start3A_31 : memref<100000x128xf32, #tpu.memory_space<hbm>>) target(%dma_start3A_25 : memref<128x128xf32, #tpu.memory_space<vmem>>) offsets(%dma_start3A_28 : memref<128xi32, #tpu.memory_space<vmem>>) semaphore(%dma_start3A_33 : memref<!tpu.dma_semaphore, #tpu.memory_space<semaphore_mem>>)
    %dma_start3A_34 = arith.constant 2 : i32
    %dma_start3A_35 = arith.constant 2 : i32
    %dma_start3A_36 = arith.constant 2 : i32
    %dma_start3A_37 = arith.constant 0 : i32
    %dma_start3A_38 = arith.constant 0 : i32
    %dma_start3A_39 = tpu.memref_slice %arg6[%dma_start3A_35, %dma_start3A_37, %dma_start3A_38] : memref<5x128x128xf32, #tpu.memory_space<vmem>> -> memref<1x128x128xf32, #tpu.memory_space<vmem>>
    %dma_start3A_40 = tpu.memref_squeeze %dma_start3A_39 : memref<1x128x128xf32, #tpu.memory_space<vmem>> -> memref<128x128xf32, #tpu.memory_space<vmem>>
    %dma_start3A_41 = arith.constant 0 : i32
    %dma_start3A_42 = tpu.memref_slice %arg5[%dma_start3A_34, %dma_start3A_41] : memref<50x128xi32, #tpu.memory_space<vmem>> -> memref<1x128xi32, #tpu.memory_space<vmem>>
    %dma_start3A_43 = tpu.memref_squeeze %dma_start3A_42 : memref<1x128xi32, #tpu.memory_space<vmem>> -> memref<128xi32, #tpu.memory_space<vmem>>
    %dma_start3A_44 = arith.constant 0 : i32
    %dma_start3A_45 = arith.constant 0 : i32
    %dma_start3A_46 = tpu.memref_slice %arg3[%dma_start3A_44, %dma_start3A_45] : memref<100000x128xf32, #tpu.memory_space<hbm>> -> memref<100000x128xf32, #tpu.memory_space<hbm>>
    %dma_start3A_47 = tpu.memref_slice %arg7[%dma_start3A_36] : memref<5x!tpu.dma_semaphore, #tpu.memory_space<semaphore_mem>> -> memref<1x!tpu.dma_semaphore, #tpu.memory_space<semaphore_mem>>
    %dma_start3A_48 = tpu.memref_squeeze %dma_start3A_47 : memref<1x!tpu.dma_semaphore, #tpu.memory_space<semaphore_mem>> -> memref<!tpu.dma_semaphore, #tpu.memory_space<semaphore_mem>>
    tpu.enqueue_indirect_dma source(%dma_start3A_46 : memref<100000x128xf32, #tpu.memory_space<hbm>>) target(%dma_start3A_40 : memref<128x128xf32, #tpu.memory_space<vmem>>) offsets(%dma_start3A_43 : memref<128xi32, #tpu.memory_space<vmem>>) semaphore(%dma_start3A_48 : memref<!tpu.dma_semaphore, #tpu.memory_space<semaphore_mem>>)
    %scan3A = arith.constant 0 : i32
    %scan3A_49 = arith.constant 10 : i32
    %scan3A_50 = arith.addi %scan3A, %scan3A_49 : i32
    %scan3A_51 = arith.constant 1 : i32
    scf.for %scan3A_142 = %scan3A to %scan3A_50 step %scan3A_51  : i32 {
      %mul3A_143 = arith.constant 5 : i32
      %mul3A_144 = arith.muli %scan3A_142, %mul3A_143 : i32
      %add3A_145 = arith.constant 0 : i32
      %add3A_146 = arith.addi %mul3A_144, %add3A_145 : i32
      %add3A_147 = arith.constant 3 : i32
      %add3A_148 = arith.addi %add3A_146, %add3A_147 : i32
      %lt3A = arith.constant 50 : i32
      %lt3A_149 = arith.cmpi slt, %add3A_148, %lt3A : i32
      %convert_element_type3A = arith.extui %lt3A_149 : i1 to i32
      %cond3A = arith.constant 0 : i32
      %cond3A_150 = arith.cmpi ne, %convert_element_type3A, %cond3A : i32
      scf.if %cond3A_150 {
        %ge3A = arith.constant 5 : i32
        %ge3A_377 = arith.cmpi sge, %add3A_148, %ge3A : i32
        %convert_element_type3A_378 = arith.extui %ge3A_377 : i1 to i32
        %cond3A_379 = arith.constant 0 : i32
        %cond3A_380 = arith.cmpi ne, %convert_element_type3A_378, %cond3A_379 : i32
        scf.if %cond3A_380 {
          %sub3A = arith.constant 5 : i32
          %sub3A_395 = arith.subi %add3A_148, %sub3A : i32
          %mul3A_396 = arith.constant 128 : i32
          %mul3A_397 = arith.muli %sub3A_395, %mul3A_396 : i32
          %add3A_398 = arith.addi %mul3A_4, %mul3A_397 : i32
          %dma_wait3A_399 = arith.constant 3 : i32
          %dma_wait3A_400 = arith.constant 3 : i32
          %dma_wait3A_401 = arith.constant 0 : i32
          %dma_wait3A_402 = arith.constant 0 : i32
          %dma_wait3A_403 = tpu.memref_slice %arg6[%dma_wait3A_399, %dma_wait3A_401, %dma_wait3A_402] : memref<5x128x128xf32, #tpu.memory_space<vmem>> -> memref<1x128x128xf32, #tpu.memory_space<vmem>>
          %dma_wait3A_404 = tpu.memref_squeeze %dma_wait3A_403 : memref<1x128x128xf32, #tpu.memory_space<vmem>> -> memref<128x128xf32, #tpu.memory_space<vmem>>
          %dma_wait3A_405 = arith.constant 0 : i32
          %dma_wait3A_406 = tpu.memref_slice %arg4[%add3A_398, %dma_wait3A_405] : memref<204800x128xf32, #tpu.memory_space<hbm>> -> memref<128x128xf32, #tpu.memory_space<hbm>>
          %dma_wait3A_407 = tpu.memref_slice %arg8[%dma_wait3A_400] : memref<5x!tpu.dma_semaphore, #tpu.memory_space<semaphore_mem>> -> memref<1x!tpu.dma_semaphore, #tpu.memory_space<semaphore_mem>>
          %dma_wait3A_408 = tpu.memref_squeeze %dma_wait3A_407 : memref<1x!tpu.dma_semaphore, #tpu.memory_space<semaphore_mem>> -> memref<!tpu.dma_semaphore, #tpu.memory_space<semaphore_mem>>
          %dma_wait3A_409 = arith.constant 0 : i32
          %dma_wait3A_410 = tpu.memref_slice %arg4[%add3A_398, %dma_wait3A_409] : memref<204800x128xf32, #tpu.memory_space<hbm>> -> memref<128x128xf32, #tpu.memory_space<hbm>>
          %dma_wait3A_411 = arith.constant 0 : i32
          %dma_wait3A_412 = arith.constant 0 : i32
          %dma_wait3A_413 = tpu.memref_slice %arg6[%dma_wait3A_399, %dma_wait3A_411, %dma_wait3A_412] : memref<5x128x128xf32, #tpu.memory_space<vmem>> -> memref<1x128x128xf32, #tpu.memory_space<vmem>>
          %dma_wait3A_414 = tpu.memref_squeeze %dma_wait3A_413 : memref<1x128x128xf32, #tpu.memory_space<vmem>> -> memref<128x128xf32, #tpu.memory_space<vmem>>
          tpu.wait_dma2 semaphore(%dma_wait3A_408 : memref<!tpu.dma_semaphore, #tpu.memory_space<semaphore_mem>>) src(%dma_wait3A_414 : memref<128x128xf32, #tpu.memory_space<vmem>>) dst(%dma_wait3A_410 : memref<128x128xf32, #tpu.memory_space<hbm>>)
        } else {
        }
        %dma_start3A_381 = arith.constant 3 : i32
        %dma_start3A_382 = arith.constant 3 : i32
        %dma_start3A_383 = arith.constant 0 : i32
        %dma_start3A_384 = arith.constant 0 : i32
        %dma_start3A_385 = tpu.memref_slice %arg6[%dma_start3A_381, %dma_start3A_383, %dma_start3A_384] : memref<5x128x128xf32, #tpu.memory_space<vmem>> -> memref<1x128x128xf32, #tpu.memory_space<vmem>>
        %dma_start3A_386 = tpu.memref_squeeze %dma_start3A_385 : memref<1x128x128xf32, #tpu.memory_space<vmem>> -> memref<128x128xf32, #tpu.memory_space<vmem>>
        %dma_start3A_387 = arith.constant 0 : i32
        %dma_start3A_388 = tpu.memref_slice %arg5[%add3A_148, %dma_start3A_387] : memref<50x128xi32, #tpu.memory_space<vmem>> -> memref<1x128xi32, #tpu.memory_space<vmem>>
        %dma_start3A_389 = tpu.memref_squeeze %dma_start3A_388 : memref<1x128xi32, #tpu.memory_space<vmem>> -> memref<128xi32, #tpu.memory_space<vmem>>
        %dma_start3A_390 = arith.constant 0 : i32
        %dma_start3A_391 = arith.constant 0 : i32
        %dma_start3A_392 = tpu.memref_slice %arg3[%dma_start3A_390, %dma_start3A_391] : memref<100000x128xf32, #tpu.memory_space<hbm>> -> memref<100000x128xf32, #tpu.memory_space<hbm>>
        %dma_start3A_393 = tpu.memref_slice %arg7[%dma_start3A_382] : memref<5x!tpu.dma_semaphore, #tpu.memory_space<semaphore_mem>> -> memref<1x!tpu.dma_semaphore, #tpu.memory_space<semaphore_mem>>
        %dma_start3A_394 = tpu.memref_squeeze %dma_start3A_393 : memref<1x!tpu.dma_semaphore, #tpu.memory_space<semaphore_mem>> -> memref<!tpu.dma_semaphore, #tpu.memory_space<semaphore_mem>>
        tpu.enqueue_indirect_dma source(%dma_start3A_392 : memref<100000x128xf32, #tpu.memory_space<hbm>>) target(%dma_start3A_386 : memref<128x128xf32, #tpu.memory_space<vmem>>) offsets(%dma_start3A_389 : memref<128xi32, #tpu.memory_space<vmem>>) semaphore(%dma_start3A_394 : memref<!tpu.dma_semaphore, #tpu.memory_space<semaphore_mem>>)
      } else {
      }
      %dma_wait3A_151 = arith.constant 0 : i32
      %dma_wait3A_152 = arith.constant 0 : i32
      %dma_wait3A_153 = arith.constant 0 : i32
      %dma_wait3A_154 = arith.constant 0 : i32
      %dma_wait3A_155 = tpu.memref_slice %arg6[%dma_wait3A_151, %dma_wait3A_153, %dma_wait3A_154] : memref<5x128x128xf32, #tpu.memory_space<vmem>> -> memref<1x128x128xf32, #tpu.memory_space<vmem>>
      %dma_wait3A_156 = tpu.memref_squeeze %dma_wait3A_155 : memref<1x128x128xf32, #tpu.memory_space<vmem>> -> memref<128x128xf32, #tpu.memory_space<vmem>>
      %dma_wait3A_157 = arith.constant 0 : i32
      %dma_wait3A_158 = tpu.memref_slice %arg5[%add3A_146, %dma_wait3A_157] : memref<50x128xi32, #tpu.memory_space<vmem>> -> memref<1x128xi32, #tpu.memory_space<vmem>>
      %dma_wait3A_159 = tpu.memref_squeeze %dma_wait3A_158 : memref<1x128xi32, #tpu.memory_space<vmem>> -> memref<128xi32, #tpu.memory_space<vmem>>
      %dma_wait3A_160 = arith.constant 0 : i32
      %dma_wait3A_161 = arith.constant 0 : i32
      %dma_wait3A_162 = tpu.memref_slice %arg3[%dma_wait3A_160, %dma_wait3A_161] : memref<100000x128xf32, #tpu.memory_space<hbm>> -> memref<100000x128xf32, #tpu.memory_space<hbm>>
      %dma_wait3A_163 = tpu.memref_slice %arg7[%dma_wait3A_152] : memref<5x!tpu.dma_semaphore, #tpu.memory_space<semaphore_mem>> -> memref<1x!tpu.dma_semaphore, #tpu.memory_space<semaphore_mem>>
      %dma_wait3A_164 = tpu.memref_squeeze %dma_wait3A_163 : memref<1x!tpu.dma_semaphore, #tpu.memory_space<semaphore_mem>> -> memref<!tpu.dma_semaphore, #tpu.memory_space<semaphore_mem>>
      tpu.wait_indirect_dma semaphore(%dma_wait3A_164 : memref<!tpu.dma_semaphore, #tpu.memory_space<semaphore_mem>>) src(%dma_wait3A_162 : memref<100000x128xf32, #tpu.memory_space<hbm>>) dst(%dma_wait3A_156 : memref<128x128xf32, #tpu.memory_space<vmem>>)
      %scan3A_165 = arith.constant 0 : i32
      %scan3A_166 = arith.constant 128 : i32
      %scan3A_167 = arith.addi %scan3A_165, %scan3A_166 : i32
      %scan3A_168 = arith.constant 1 : i32
      scf.for %scan3A_377 = %scan3A_165 to %scan3A_167 step %scan3A_168  : i32 {
        %get3A = arith.constant 0 : i32
        %get3A_378 = arith.index_cast %get3A : i32 to index
        %get3A_379 = arith.index_cast %scan3A_377 : i32 to index
        %get3A_380 = arith.constant 0 : index
        %get3A_381 = tpu.vector_load %arg6[%get3A_378, %get3A_379, %get3A_380] {strides = array<i32>} : memref<5x128x128xf32, #tpu.memory_space<vmem>>, vector<1x1x16xf32>,
        %get3A_382 = vector.shape_cast %get3A_381 : vector<1x1x16xf32> to vector<16xf32>
        %mul3A_383 = arith.constant 11.3137083 : f32
        %mul3A_384 = vector.broadcast %mul3A_383 : f32 to vector<16xf32>
        %mul3A_385 = arith.mulf %get3A_382, %mul3A_384 : vector<16xf32>
        %swap3A = arith.constant 0 : i32
        %swap3A_386 = arith.index_cast %swap3A : i32 to index
        %swap3A_387 = arith.index_cast %scan3A_377 : i32 to index
        %swap3A_388 = arith.constant 0 : index
        %swap3A_389 = tpu.vector_load %arg6[%swap3A_386, %swap3A_387, %swap3A_388] {strides = array<i32>} : memref<5x128x128xf32, #tpu.memory_space<vmem>>, vector<1x1x16xf32>,
        %swap3A_390 = vector.shape_cast %swap3A_389 : vector<1x1x16xf32> to vector<16xf32>
        %swap3A_391 = vector.shape_cast %mul3A_385 : vector<16xf32> to vector<1x1x16xf32>
        tpu.vector_store %arg6[%swap3A_386, %swap3A_387, %swap3A_388], %swap3A_391 {strides = array<i32>} : memref<5x128x128xf32, #tpu.memory_space<vmem>>, vector<1x1x16xf32>,
        %get3A_392 = arith.constant 0 : i32
        %get3A_393 = arith.index_cast %get3A_392 : i32 to index
        %get3A_394 = arith.index_cast %scan3A_377 : i32 to index
        %get3A_395 = arith.constant 16 : index
        %get3A_396 = tpu.vector_load %arg6[%get3A_393, %get3A_394, %get3A_395] {strides = array<i32>} : memref<5x128x128xf32, #tpu.memory_space<vmem>>, vector<1x1x16xf32>,
        %get3A_397 = vector.shape_cast %get3A_396 : vector<1x1x16xf32> to vector<16xf32>
        %mul3A_398 = arith.constant 11.3137083 : f32
        %mul3A_399 = vector.broadcast %mul3A_398 : f32 to vector<16xf32>
        %mul3A_400 = arith.mulf %get3A_397, %mul3A_399 : vector<16xf32>
        %swap3A_401 = arith.constant 0 : i32
        %swap3A_402 = arith.index_cast %swap3A_401 : i32 to index
        %swap3A_403 = arith.index_cast %scan3A_377 : i32 to index
        %swap3A_404 = arith.constant 16 : index
        %swap3A_405 = tpu.vector_load %arg6[%swap3A_402, %swap3A_403, %swap3A_404] {strides = array<i32>} : memref<5x128x128xf32, #tpu.memory_space<vmem>>, vector<1x1x16xf32>,
        %swap3A_406 = vector.shape_cast %swap3A_405 : vector<1x1x16xf32> to vector<16xf32>
        %swap3A_407 = vector.shape_cast %mul3A_400 : vector<16xf32> to vector<1x1x16xf32>
        tpu.vector_store %arg6[%swap3A_402, %swap3A_403, %swap3A_404], %swap3A_407 {strides = array<i32>} : memref<5x128x128xf32, #tpu.memory_space<vmem>>, vector<1x1x16xf32>,
        %get3A_408 = arith.constant 0 : i32
        %get3A_409 = arith.index_cast %get3A_408 : i32 to index
        %get3A_410 = arith.index_cast %scan3A_377 : i32 to index
        %get3A_411 = arith.constant 32 : index
        %get3A_412 = tpu.vector_load %arg6[%get3A_409, %get3A_410, %get3A_411] {strides = array<i32>} : memref<5x128x128xf32, #tpu.memory_space<vmem>>, vector<1x1x16xf32>,
        %get3A_413 = vector.shape_cast %get3A_412 : vector<1x1x16xf32> to vector<16xf32>
        %mul3A_414 = arith.constant 11.3137083 : f32
        %mul3A_415 = vector.broadcast %mul3A_414 : f32 to vector<16xf32>
        %mul3A_416 = arith.mulf %get3A_413, %mul3A_415 : vector<16xf32>
        %swap3A_417 = arith.constant 0 : i32
        %swap3A_418 = arith.index_cast %swap3A_417 : i32 to index
        %swap3A_419 = arith.index_cast %scan3A_377 : i32 to index
        %swap3A_420 = arith.constant 32 : index
        %swap3A_421 = tpu.vector_load %arg6[%swap3A_418, %swap3A_419, %swap3A_420] {strides = array<i32>} : memref<5x128x128xf32, #tpu.memory_space<vmem>>, vector<1x1x16xf32>,
        %swap3A_422 = vector.shape_cast %swap3A_421 : vector<1x1x16xf32> to vector<16xf32>
        %swap3A_423 = vector.shape_cast %mul3A_416 : vector<16xf32> to vector<1x1x16xf32>
        tpu.vector_store %arg6[%swap3A_418, %swap3A_419, %swap3A_420], %swap3A_423 {strides = array<i32>} : memref<5x128x128xf32, #tpu.memory_space<vmem>>, vector<1x1x16xf32>,
        %get3A_424 = arith.constant 0 : i32
        %get3A_425 = arith.index_cast %get3A_424 : i32 to index
        %get3A_426 = arith.index_cast %scan3A_377 : i32 to index
        %get3A_427 = arith.constant 48 : index
        %get3A_428 = tpu.vector_load %arg6[%get3A_425, %get3A_426, %get3A_427] {strides = array<i32>} : memref<5x128x128xf32, #tpu.memory_space<vmem>>, vector<1x1x16xf32>,
        %get3A_429 = vector.shape_cast %get3A_428 : vector<1x1x16xf32> to vector<16xf32>
        %mul3A_430 = arith.constant 11.3137083 : f32
        %mul3A_431 = vector.broadcast %mul3A_430 : f32 to vector<16xf32>
        %mul3A_432 = arith.mulf %get3A_429, %mul3A_431 : vector<16xf32>
        %swap3A_433 = arith.constant 0 : i32
        %swap3A_434 = arith.index_cast %swap3A_433 : i32 to index
        %swap3A_435 = arith.index_cast %scan3A_377 : i32 to index
        %swap3A_436 = arith.constant 48 : index
        %swap3A_437 = tpu.vector_load %arg6[%swap3A_434, %swap3A_435, %swap3A_436] {strides = array<i32>} : memref<5x128x128xf32, #tpu.memory_space<vmem>>, vector<1x1x16xf32>,
        %swap3A_438 = vector.shape_cast %swap3A_437 : vector<1x1x16xf32> to vector<16xf32>
        %swap3A_439 = vector.shape_cast %mul3A_432 : vector<16xf32> to vector<1x1x16xf32>
        tpu.vector_store %arg6[%swap3A_434, %swap3A_435, %swap3A_436], %swap3A_439 {strides = array<i32>} : memref<5x128x128xf32, #tpu.memory_space<vmem>>, vector<1x1x16xf32>,
        %get3A_440 = arith.constant 0 : i32
        %get3A_441 = arith.index_cast %get3A_440 : i32 to index
        %get3A_442 = arith.index_cast %scan3A_377 : i32 to index
        %get3A_443 = arith.constant 64 : index
        %get3A_444 = tpu.vector_load %arg6[%get3A_441, %get3A_442, %get3A_443] {strides = array<i32>} : memref<5x128x128xf32, #tpu.memory_space<vmem>>, vector<1x1x16xf32>,
        %get3A_445 = vector.shape_cast %get3A_444 : vector<1x1x16xf32> to vector<16xf32>
        %mul3A_446 = arith.constant 11.3137083 : f32
        %mul3A_447 = vector.broadcast %mul3A_446 : f32 to vector<16xf32>
        %mul3A_448 = arith.mulf %get3A_445, %mul3A_447 : vector<16xf32>
        %swap3A_449 = arith.constant 0 : i32
        %swap3A_450 = arith.index_cast %swap3A_449 : i32 to index
        %swap3A_451 = arith.index_cast %scan3A_377 : i32 to index
        %swap3A_452 = arith.constant 64 : index
        %swap3A_453 = tpu.vector_load %arg6[%swap3A_450, %swap3A_451, %swap3A_452] {strides = array<i32>} : memref<5x128x128xf32, #tpu.memory_space<vmem>>, vector<1x1x16xf32>,
        %swap3A_454 = vector.shape_cast %swap3A_453 : vector<1x1x16xf32> to vector<16xf32>
        %swap3A_455 = vector.shape_cast %mul3A_448 : vector<16xf32> to vector<1x1x16xf32>
        tpu.vector_store %arg6[%swap3A_450, %swap3A_451, %swap3A_452], %swap3A_455 {strides = array<i32>} : memref<5x128x128xf32, #tpu.memory_space<vmem>>, vector<1x1x16xf32>,
        %get3A_456 = arith.constant 0 : i32
        %get3A_457 = arith.index_cast %get3A_456 : i32 to index
        %get3A_458 = arith.index_cast %scan3A_377 : i32 to index
        %get3A_459 = arith.constant 80 : index
        %get3A_460 = tpu.vector_load %arg6[%get3A_457, %get3A_458, %get3A_459] {strides = array<i32>} : memref<5x128x128xf32, #tpu.memory_space<vmem>>, vector<1x1x16xf32>,
        %get3A_461 = vector.shape_cast %get3A_460 : vector<1x1x16xf32> to vector<16xf32>
        %mul3A_462 = arith.constant 11.3137083 : f32
        %mul3A_463 = vector.broadcast %mul3A_462 : f32 to vector<16xf32>
        %mul3A_464 = arith.mulf %get3A_461, %mul3A_463 : vector<16xf32>
        %swap3A_465 = arith.constant 0 : i32
        %swap3A_466 = arith.index_cast %swap3A_465 : i32 to index
        %swap3A_467 = arith.index_cast %scan3A_377 : i32 to index
        %swap3A_468 = arith.constant 80 : index
        %swap3A_469 = tpu.vector_load %arg6[%swap3A_466, %swap3A_467, %swap3A_468] {strides = array<i32>} : memref<5x128x128xf32, #tpu.memory_space<vmem>>, vector<1x1x16xf32>,
        %swap3A_470 = vector.shape_cast %swap3A_469 : vector<1x1x16xf32> to vector<16xf32>
        %swap3A_471 = vector.shape_cast %mul3A_464 : vector<16xf32> to vector<1x1x16xf32>
        tpu.vector_store %arg6[%swap3A_466, %swap3A_467, %swap3A_468], %swap3A_471 {strides = array<i32>} : memref<5x128x128xf32, #tpu.memory_space<vmem>>, vector<1x1x16xf32>,
        %get3A_472 = arith.constant 0 : i32
        %get3A_473 = arith.index_cast %get3A_472 : i32 to index
        %get3A_474 = arith.index_cast %scan3A_377 : i32 to index
        %get3A_475 = arith.constant 96 : index
        %get3A_476 = tpu.vector_load %arg6[%get3A_473, %get3A_474, %get3A_475] {strides = array<i32>} : memref<5x128x128xf32, #tpu.memory_space<vmem>>, vector<1x1x16xf32>,
        %get3A_477 = vector.shape_cast %get3A_476 : vector<1x1x16xf32> to vector<16xf32>
        %mul3A_478 = arith.constant 11.3137083 : f32
        %mul3A_479 = vector.broadcast %mul3A_478 : f32 to vector<16xf32>
        %mul3A_480 = arith.mulf %get3A_477, %mul3A_479 : vector<16xf32>
        %swap3A_481 = arith.constant 0 : i32
        %swap3A_482 = arith.index_cast %swap3A_481 : i32 to index
        %swap3A_483 = arith.index_cast %scan3A_377 : i32 to index
        %swap3A_484 = arith.constant 96 : index
        %swap3A_485 = tpu.vector_load %arg6[%swap3A_482, %swap3A_483, %swap3A_484] {strides = array<i32>} : memref<5x128x128xf32, #tpu.memory_space<vmem>>, vector<1x1x16xf32>,
        %swap3A_486 = vector.shape_cast %swap3A_485 : vector<1x1x16xf32> to vector<16xf32>
        %swap3A_487 = vector.shape_cast %mul3A_480 : vector<16xf32> to vector<1x1x16xf32>
        tpu.vector_store %arg6[%swap3A_482, %swap3A_483, %swap3A_484], %swap3A_487 {strides = array<i32>} : memref<5x128x128xf32, #tpu.memory_space<vmem>>, vector<1x1x16xf32>,
        %get3A_488 = arith.constant 0 : i32
        %get3A_489 = arith.index_cast %get3A_488 : i32 to index
        %get3A_490 = arith.index_cast %scan3A_377 : i32 to index
        %get3A_491 = arith.constant 112 : index
        %get3A_492 = tpu.vector_load %arg6[%get3A_489, %get3A_490, %get3A_491] {strides = array<i32>} : memref<5x128x128xf32, #tpu.memory_space<vmem>>, vector<1x1x16xf32>,
        %get3A_493 = vector.shape_cast %get3A_492 : vector<1x1x16xf32> to vector<16xf32>
        %mul3A_494 = arith.constant 11.3137083 : f32
        %mul3A_495 = vector.broadcast %mul3A_494 : f32 to vector<16xf32>
        %mul3A_496 = arith.mulf %get3A_493, %mul3A_495 : vector<16xf32>
        %swap3A_497 = arith.constant 0 : i32
        %swap3A_498 = arith.index_cast %swap3A_497 : i32 to index
        %swap3A_499 = arith.index_cast %scan3A_377 : i32 to index
        %swap3A_500 = arith.constant 112 : index
        %swap3A_501 = tpu.vector_load %arg6[%swap3A_498, %swap3A_499, %swap3A_500] {strides = array<i32>} : memref<5x128x128xf32, #tpu.memory_space<vmem>>, vector<1x1x16xf32>,
        %swap3A_502 = vector.shape_cast %swap3A_501 : vector<1x1x16xf32> to vector<16xf32>
        %swap3A_503 = vector.shape_cast %mul3A_496 : vector<16xf32> to vector<1x1x16xf32>
        tpu.vector_store %arg6[%swap3A_498, %swap3A_499, %swap3A_500], %swap3A_503 {strides = array<i32>} : memref<5x128x128xf32, #tpu.memory_space<vmem>>, vector<1x1x16xf32>,
      }
      %scan3A_169 = arith.constant 128 : i32
      %mul3A_170 = arith.constant 128 : i32
      %mul3A_171 = arith.muli %add3A_146, %mul3A_170 : i32
      %add3A_172 = arith.addi %mul3A_4, %mul3A_171 : i32
      %dma_start3A_173 = arith.constant 0 : i32
      %dma_start3A_174 = arith.constant 0 : i32
      %dma_start3A_175 = arith.constant 0 : i32
      %dma_start3A_176 = arith.constant 0 : i32
      %dma_start3A_177 = tpu.memref_slice %arg6[%dma_start3A_173, %dma_start3A_175, %dma_start3A_176] : memref<5x128x128xf32, #tpu.memory_space<vmem>> -> memref<1x128x128xf32, #tpu.memory_space<vmem>>
      %dma_start3A_178 = tpu.memref_squeeze %dma_start3A_177 : memref<1x128x128xf32, #tpu.memory_space<vmem>> -> memref<128x128xf32, #tpu.memory_space<vmem>>
      %dma_start3A_179 = arith.constant 0 : i32
      %dma_start3A_180 = tpu.memref_slice %arg4[%add3A_172, %dma_start3A_179] : memref<204800x128xf32, #tpu.memory_space<hbm>> -> memref<128x128xf32, #tpu.memory_space<hbm>>
      %dma_start3A_181 = tpu.memref_slice %arg8[%dma_start3A_174] : memref<5x!tpu.dma_semaphore, #tpu.memory_space<semaphore_mem>> -> memref<1x!tpu.dma_semaphore, #tpu.memory_space<semaphore_mem>>
      %dma_start3A_182 = tpu.memref_squeeze %dma_start3A_181 : memref<1x!tpu.dma_semaphore, #tpu.memory_space<semaphore_mem>> -> memref<!tpu.dma_semaphore, #tpu.memory_space<semaphore_mem>>
      %dma_start3A_183 = arith.constant 0 : i32
      %dma_start3A_184 = tpu.memref_slice %arg4[%add3A_172, %dma_start3A_183] : memref<204800x128xf32, #tpu.memory_space<hbm>> -> memref<128x128xf32, #tpu.memory_space<hbm>>
      %dma_start3A_185 = arith.constant 0 : i32
      %dma_start3A_186 = arith.constant 0 : i32
      %dma_start3A_187 = tpu.memref_slice %arg6[%dma_start3A_173, %dma_start3A_185, %dma_start3A_186] : memref<5x128x128xf32, #tpu.memory_space<vmem>> -> memref<1x128x128xf32, #tpu.memory_space<vmem>>
      %dma_start3A_188 = tpu.memref_squeeze %dma_start3A_187 : memref<1x128x128xf32, #tpu.memory_space<vmem>> -> memref<128x128xf32, #tpu.memory_space<vmem>>
      tpu.enqueue_dma source(%dma_start3A_188 : memref<128x128xf32, #tpu.memory_space<vmem>>) target(%dma_start3A_184 : memref<128x128xf32, #tpu.memory_space<hbm>>) target_semaphore(%dma_start3A_182 : memref<!tpu.dma_semaphore, #tpu.memory_space<semaphore_mem>>)
      %add3A_189 = arith.constant 1 : i32
      %add3A_190 = arith.addi %mul3A_144, %add3A_189 : i32
      %add3A_191 = arith.constant 3 : i32
      %add3A_192 = arith.addi %add3A_190, %add3A_191 : i32
      %lt3A_193 = arith.constant 50 : i32
      %lt3A_194 = arith.cmpi slt, %add3A_192, %lt3A_193 : i32
      %convert_element_type3A_195 = arith.extui %lt3A_194 : i1 to i32
      %cond3A_196 = arith.constant 0 : i32
      %cond3A_197 = arith.cmpi ne, %convert_element_type3A_195, %cond3A_196 : i32
      scf.if %cond3A_197 {
        %ge3A = arith.constant 5 : i32
        %ge3A_377 = arith.cmpi sge, %add3A_192, %ge3A : i32
        %convert_element_type3A_378 = arith.extui %ge3A_377 : i1 to i32
        %cond3A_379 = arith.constant 0 : i32
        %cond3A_380 = arith.cmpi ne, %convert_element_type3A_378, %cond3A_379 : i32
        scf.if %cond3A_380 {
          %sub3A = arith.constant 5 : i32
          %sub3A_395 = arith.subi %add3A_192, %sub3A : i32
          %mul3A_396 = arith.constant 128 : i32
          %mul3A_397 = arith.muli %sub3A_395, %mul3A_396 : i32
          %add3A_398 = arith.addi %mul3A_4, %mul3A_397 : i32
          %dma_wait3A_399 = arith.constant 4 : i32
          %dma_wait3A_400 = arith.constant 4 : i32
          %dma_wait3A_401 = arith.constant 0 : i32
          %dma_wait3A_402 = arith.constant 0 : i32
          %dma_wait3A_403 = tpu.memref_slice %arg6[%dma_wait3A_399, %dma_wait3A_401, %dma_wait3A_402] : memref<5x128x128xf32, #tpu.memory_space<vmem>> -> memref<1x128x128xf32, #tpu.memory_space<vmem>>
          %dma_wait3A_404 = tpu.memref_squeeze %dma_wait3A_403 : memref<1x128x128xf32, #tpu.memory_space<vmem>> -> memref<128x128xf32, #tpu.memory_space<vmem>>
          %dma_wait3A_405 = arith.constant 0 : i32
          %dma_wait3A_406 = tpu.memref_slice %arg4[%add3A_398, %dma_wait3A_405] : memref<204800x128xf32, #tpu.memory_space<hbm>> -> memref<128x128xf32, #tpu.memory_space<hbm>>
          %dma_wait3A_407 = tpu.memref_slice %arg8[%dma_wait3A_400] : memref<5x!tpu.dma_semaphore, #tpu.memory_space<semaphore_mem>> -> memref<1x!tpu.dma_semaphore, #tpu.memory_space<semaphore_mem>>
          %dma_wait3A_408 = tpu.memref_squeeze %dma_wait3A_407 : memref<1x!tpu.dma_semaphore, #tpu.memory_space<semaphore_mem>> -> memref<!tpu.dma_semaphore, #tpu.memory_space<semaphore_mem>>
          %dma_wait3A_409 = arith.constant 0 : i32
          %dma_wait3A_410 = tpu.memref_slice %arg4[%add3A_398, %dma_wait3A_409] : memref<204800x128xf32, #tpu.memory_space<hbm>> -> memref<128x128xf32, #tpu.memory_space<hbm>>
          %dma_wait3A_411 = arith.constant 0 : i32
          %dma_wait3A_412 = arith.constant 0 : i32
          %dma_wait3A_413 = tpu.memref_slice %arg6[%dma_wait3A_399, %dma_wait3A_411, %dma_wait3A_412] : memref<5x128x128xf32, #tpu.memory_space<vmem>> -> memref<1x128x128xf32, #tpu.memory_space<vmem>>
          %dma_wait3A_414 = tpu.memref_squeeze %dma_wait3A_413 : memref<1x128x128xf32, #tpu.memory_space<vmem>> -> memref<128x128xf32, #tpu.memory_space<vmem>>
          tpu.wait_dma2 semaphore(%dma_wait3A_408 : memref<!tpu.dma_semaphore, #tpu.memory_space<semaphore_mem>>) src(%dma_wait3A_414 : memref<128x128xf32, #tpu.memory_space<vmem>>) dst(%dma_wait3A_410 : memref<128x128xf32, #tpu.memory_space<hbm>>)
        } else {
        }
        %dma_start3A_381 = arith.constant 4 : i32
        %dma_start3A_382 = arith.constant 4 : i32
        %dma_start3A_383 = arith.constant 0 : i32
        %dma_start3A_384 = arith.constant 0 : i32
        %dma_start3A_385 = tpu.memref_slice %arg6[%dma_start3A_381, %dma_start3A_383, %dma_start3A_384] : memref<5x128x128xf32, #tpu.memory_space<vmem>> -> memref<1x128x128xf32, #tpu.memory_space<vmem>>
        %dma_start3A_386 = tpu.memref_squeeze %dma_start3A_385 : memref<1x128x128xf32, #tpu.memory_space<vmem>> -> memref<128x128xf32, #tpu.memory_space<vmem>>
        %dma_start3A_387 = arith.constant 0 : i32
        %dma_start3A_388 = tpu.memref_slice %arg5[%add3A_192, %dma_start3A_387] : memref<50x128xi32, #tpu.memory_space<vmem>> -> memref<1x128xi32, #tpu.memory_space<vmem>>
        %dma_start3A_389 = tpu.memref_squeeze %dma_start3A_388 : memref<1x128xi32, #tpu.memory_space<vmem>> -> memref<128xi32, #tpu.memory_space<vmem>>
        %dma_start3A_390 = arith.constant 0 : i32
        %dma_start3A_391 = arith.constant 0 : i32
        %dma_start3A_392 = tpu.memref_slice %arg3[%dma_start3A_390, %dma_start3A_391] : memref<100000x128xf32, #tpu.memory_space<hbm>> -> memref<100000x128xf32, #tpu.memory_space<hbm>>
        %dma_start3A_393 = tpu.memref_slice %arg7[%dma_start3A_382] : memref<5x!tpu.dma_semaphore, #tpu.memory_space<semaphore_mem>> -> memref<1x!tpu.dma_semaphore, #tpu.memory_space<semaphore_mem>>
        %dma_start3A_394 = tpu.memref_squeeze %dma_start3A_393 : memref<1x!tpu.dma_semaphore, #tpu.memory_space<semaphore_mem>> -> memref<!tpu.dma_semaphore, #tpu.memory_space<semaphore_mem>>
        tpu.enqueue_indirect_dma source(%dma_start3A_392 : memref<100000x128xf32, #tpu.memory_space<hbm>>) target(%dma_start3A_386 : memref<128x128xf32, #tpu.memory_space<vmem>>) offsets(%dma_start3A_389 : memref<128xi32, #tpu.memory_space<vmem>>) semaphore(%dma_start3A_394 : memref<!tpu.dma_semaphore, #tpu.memory_space<semaphore_mem>>)
      } else {
      }
      %dma_wait3A_198 = arith.constant 1 : i32
      %dma_wait3A_199 = arith.constant 1 : i32
      %dma_wait3A_200 = arith.constant 0 : i32
      %dma_wait3A_201 = arith.constant 0 : i32
      %dma_wait3A_202 = tpu.memref_slice %arg6[%dma_wait3A_198, %dma_wait3A_200, %dma_wait3A_201] : memref<5x128x128xf32, #tpu.memory_space<vmem>> -> memref<1x128x128xf32, #tpu.memory_space<vmem>>
      %dma_wait3A_203 = tpu.memref_squeeze %dma_wait3A_202 : memref<1x128x128xf32, #tpu.memory_space<vmem>> -> memref<128x128xf32, #tpu.memory_space<vmem>>
      %dma_wait3A_204 = arith.constant 0 : i32
      %dma_wait3A_205 = tpu.memref_slice %arg5[%add3A_190, %dma_wait3A_204] : memref<50x128xi32, #tpu.memory_space<vmem>> -> memref<1x128xi32, #tpu.memory_space<vmem>>
      %dma_wait3A_206 = tpu.memref_squeeze %dma_wait3A_205 : memref<1x128xi32, #tpu.memory_space<vmem>> -> memref<128xi32, #tpu.memory_space<vmem>>
      %dma_wait3A_207 = arith.constant 0 : i32
      %dma_wait3A_208 = arith.constant 0 : i32
      %dma_wait3A_209 = tpu.memref_slice %arg3[%dma_wait3A_207, %dma_wait3A_208] : memref<100000x128xf32, #tpu.memory_space<hbm>> -> memref<100000x128xf32, #tpu.memory_space<hbm>>
      %dma_wait3A_210 = tpu.memref_slice %arg7[%dma_wait3A_199] : memref<5x!tpu.dma_semaphore, #tpu.memory_space<semaphore_mem>> -> memref<1x!tpu.dma_semaphore, #tpu.memory_space<semaphore_mem>>
      %dma_wait3A_211 = tpu.memref_squeeze %dma_wait3A_210 : memref<1x!tpu.dma_semaphore, #tpu.memory_space<semaphore_mem>> -> memref<!tpu.dma_semaphore, #tpu.memory_space<semaphore_mem>>
      tpu.wait_indirect_dma semaphore(%dma_wait3A_211 : memref<!tpu.dma_semaphore, #tpu.memory_space<semaphore_mem>>) src(%dma_wait3A_209 : memref<100000x128xf32, #tpu.memory_space<hbm>>) dst(%dma_wait3A_203 : memref<128x128xf32, #tpu.memory_space<vmem>>)
      %scan3A_212 = arith.constant 0 : i32
      %scan3A_213 = arith.constant 128 : i32
      %scan3A_214 = arith.addi %scan3A_212, %scan3A_213 : i32
      %scan3A_215 = arith.constant 1 : i32
      scf.for %scan3A_377 = %scan3A_212 to %scan3A_214 step %scan3A_215  : i32 {
        %get3A = arith.constant 1 : i32
        %get3A_378 = arith.index_cast %get3A : i32 to index
        %get3A_379 = arith.index_cast %scan3A_377 : i32 to index
        %get3A_380 = arith.constant 0 : index
        %get3A_381 = tpu.vector_load %arg6[%get3A_378, %get3A_379, %get3A_380] {strides = array<i32>} : memref<5x128x128xf32, #tpu.memory_space<vmem>>, vector<1x1x16xf32>,
        %get3A_382 = vector.shape_cast %get3A_381 : vector<1x1x16xf32> to vector<16xf32>
        %mul3A_383 = arith.constant 11.3137083 : f32
        %mul3A_384 = vector.broadcast %mul3A_383 : f32 to vector<16xf32>
        %mul3A_385 = arith.mulf %get3A_382, %mul3A_384 : vector<16xf32>
        %swap3A = arith.constant 1 : i32
        %swap3A_386 = arith.index_cast %swap3A : i32 to index
        %swap3A_387 = arith.index_cast %scan3A_377 : i32 to index
        %swap3A_388 = arith.constant 0 : index
        %swap3A_389 = tpu.vector_load %arg6[%swap3A_386, %swap3A_387, %swap3A_388] {strides = array<i32>} : memref<5x128x128xf32, #tpu.memory_space<vmem>>, vector<1x1x16xf32>,
        %swap3A_390 = vector.shape_cast %swap3A_389 : vector<1x1x16xf32> to vector<16xf32>
        %swap3A_391 = vector.shape_cast %mul3A_385 : vector<16xf32> to vector<1x1x16xf32>
        tpu.vector_store %arg6[%swap3A_386, %swap3A_387, %swap3A_388], %swap3A_391 {strides = array<i32>} : memref<5x128x128xf32, #tpu.memory_space<vmem>>, vector<1x1x16xf32>,
        %get3A_392 = arith.constant 1 : i32
        %get3A_393 = arith.index_cast %get3A_392 : i32 to index
        %get3A_394 = arith.index_cast %scan3A_377 : i32 to index
        %get3A_395 = arith.constant 16 : index
        %get3A_396 = tpu.vector_load %arg6[%get3A_393, %get3A_394, %get3A_395] {strides = array<i32>} : memref<5x128x128xf32, #tpu.memory_space<vmem>>, vector<1x1x16xf32>,
        %get3A_397 = vector.shape_cast %get3A_396 : vector<1x1x16xf32> to vector<16xf32>
        %mul3A_398 = arith.constant 11.3137083 : f32
        %mul3A_399 = vector.broadcast %mul3A_398 : f32 to vector<16xf32>
        %mul3A_400 = arith.mulf %get3A_397, %mul3A_399 : vector<16xf32>
        %swap3A_401 = arith.constant 1 : i32
        %swap3A_402 = arith.index_cast %swap3A_401 : i32 to index
        %swap3A_403 = arith.index_cast %scan3A_377 : i32 to index
        %swap3A_404 = arith.constant 16 : index
        %swap3A_405 = tpu.vector_load %arg6[%swap3A_402, %swap3A_403, %swap3A_404] {strides = array<i32>} : memref<5x128x128xf32, #tpu.memory_space<vmem>>, vector<1x1x16xf32>,
        %swap3A_406 = vector.shape_cast %swap3A_405 : vector<1x1x16xf32> to vector<16xf32>
        %swap3A_407 = vector.shape_cast %mul3A_400 : vector<16xf32> to vector<1x1x16xf32>
        tpu.vector_store %arg6[%swap3A_402, %swap3A_403, %swap3A_404], %swap3A_407 {strides = array<i32>} : memref<5x128x128xf32, #tpu.memory_space<vmem>>, vector<1x1x16xf32>,
        %get3A_408 = arith.constant 1 : i32
        %get3A_409 = arith.index_cast %get3A_408 : i32 to index
        %get3A_410 = arith.index_cast %scan3A_377 : i32 to index
        %get3A_411 = arith.constant 32 : index
        %get3A_412 = tpu.vector_load %arg6[%get3A_409, %get3A_410, %get3A_411] {strides = array<i32>} : memref<5x128x128xf32, #tpu.memory_space<vmem>>, vector<1x1x16xf32>,
        %get3A_413 = vector.shape_cast %get3A_412 : vector<1x1x16xf32> to vector<16xf32>
        %mul3A_414 = arith.constant 11.3137083 : f32
        %mul3A_415 = vector.broadcast %mul3A_414 : f32 to vector<16xf32>
        %mul3A_416 = arith.mulf %get3A_413, %mul3A_415 : vector<16xf32>
        %swap3A_417 = arith.constant 1 : i32
        %swap3A_418 = arith.index_cast %swap3A_417 : i32 to index
        %swap3A_419 = arith.index_cast %scan3A_377 : i32 to index
        %swap3A_420 = arith.constant 32 : index
        %swap3A_421 = tpu.vector_load %arg6[%swap3A_418, %swap3A_419, %swap3A_420] {strides = array<i32>} : memref<5x128x128xf32, #tpu.memory_space<vmem>>, vector<1x1x16xf32>,
        %swap3A_422 = vector.shape_cast %swap3A_421 : vector<1x1x16xf32> to vector<16xf32>
        %swap3A_423 = vector.shape_cast %mul3A_416 : vector<16xf32> to vector<1x1x16xf32>
        tpu.vector_store %arg6[%swap3A_418, %swap3A_419, %swap3A_420], %swap3A_423 {strides = array<i32>} : memref<5x128x128xf32, #tpu.memory_space<vmem>>, vector<1x1x16xf32>,
        %get3A_424 = arith.constant 1 : i32
        %get3A_425 = arith.index_cast %get3A_424 : i32 to index
        %get3A_426 = arith.index_cast %scan3A_377 : i32 to index
        %get3A_427 = arith.constant 48 : index
        %get3A_428 = tpu.vector_load %arg6[%get3A_425, %get3A_426, %get3A_427] {strides = array<i32>} : memref<5x128x128xf32, #tpu.memory_space<vmem>>, vector<1x1x16xf32>,
        %get3A_429 = vector.shape_cast %get3A_428 : vector<1x1x16xf32> to vector<16xf32>
        %mul3A_430 = arith.constant 11.3137083 : f32
        %mul3A_431 = vector.broadcast %mul3A_430 : f32 to vector<16xf32>
        %mul3A_432 = arith.mulf %get3A_429, %mul3A_431 : vector<16xf32>
        %swap3A_433 = arith.constant 1 : i32
        %swap3A_434 = arith.index_cast %swap3A_433 : i32 to index
        %swap3A_435 = arith.index_cast %scan3A_377 : i32 to index
        %swap3A_436 = arith.constant 48 : index
        %swap3A_437 = tpu.vector_load %arg6[%swap3A_434, %swap3A_435, %swap3A_436] {strides = array<i32>} : memref<5x128x128xf32, #tpu.memory_space<vmem>>, vector<1x1x16xf32>,
        %swap3A_438 = vector.shape_cast %swap3A_437 : vector<1x1x16xf32> to vector<16xf32>
        %swap3A_439 = vector.shape_cast %mul3A_432 : vector<16xf32> to vector<1x1x16xf32>
        tpu.vector_store %arg6[%swap3A_434, %swap3A_435, %swap3A_436], %swap3A_439 {strides = array<i32>} : memref<5x128x128xf32, #tpu.memory_space<vmem>>, vector<1x1x16xf32>,
        %get3A_440 = arith.constant 1 : i32
        %get3A_441 = arith.index_cast %get3A_440 : i32 to index
        %get3A_442 = arith.index_cast %scan3A_377 : i32 to index
        %get3A_443 = arith.constant 64 : index
        %get3A_444 = tpu.vector_load %arg6[%get3A_441, %get3A_442, %get3A_443] {strides = array<i32>} : memref<5x128x128xf32, #tpu.memory_space<vmem>>, vector<1x1x16xf32>,
        %get3A_445 = vector.shape_cast %get3A_444 : vector<1x1x16xf32> to vector<16xf32>
        %mul3A_446 = arith.constant 11.3137083 : f32
        %mul3A_447 = vector.broadcast %mul3A_446 : f32 to vector<16xf32>
        %mul3A_448 = arith.mulf %get3A_445, %mul3A_447 : vector<16xf32>
        %swap3A_449 = arith.constant 1 : i32
        %swap3A_450 = arith.index_cast %swap3A_449 : i32 to index
        %swap3A_451 = arith.index_cast %scan3A_377 : i32 to index
        %swap3A_452 = arith.constant 64 : index
        %swap3A_453 = tpu.vector_load %arg6[%swap3A_450, %swap3A_451, %swap3A_452] {strides = array<i32>} : memref<5x128x128xf32, #tpu.memory_space<vmem>>, vector<1x1x16xf32>,
        %swap3A_454 = vector.shape_cast %swap3A_453 : vector<1x1x16xf32> to vector<16xf32>
        %swap3A_455 = vector.shape_cast %mul3A_448 : vector<16xf32> to vector<1x1x16xf32>
        tpu.vector_store %arg6[%swap3A_450, %swap3A_451, %swap3A_452], %swap3A_455 {strides = array<i32>} : memref<5x128x128xf32, #tpu.memory_space<vmem>>, vector<1x1x16xf32>,
        %get3A_456 = arith.constant 1 : i32
        %get3A_457 = arith.index_cast %get3A_456 : i32 to index
        %get3A_458 = arith.index_cast %scan3A_377 : i32 to index
        %get3A_459 = arith.constant 80 : index
        %get3A_460 = tpu.vector_load %arg6[%get3A_457, %get3A_458, %get3A_459] {strides = array<i32>} : memref<5x128x128xf32, #tpu.memory_space<vmem>>, vector<1x1x16xf32>,
        %get3A_461 = vector.shape_cast %get3A_460 : vector<1x1x16xf32> to vector<16xf32>
        %mul3A_462 = arith.constant 11.3137083 : f32
        %mul3A_463 = vector.broadcast %mul3A_462 : f32 to vector<16xf32>
        %mul3A_464 = arith.mulf %get3A_461, %mul3A_463 : vector<16xf32>
        %swap3A_465 = arith.constant 1 : i32
        %swap3A_466 = arith.index_cast %swap3A_465 : i32 to index
        %swap3A_467 = arith.index_cast %scan3A_377 : i32 to index
        %swap3A_468 = arith.constant 80 : index
        %swap3A_469 = tpu.vector_load %arg6[%swap3A_466, %swap3A_467, %swap3A_468] {strides = array<i32>} : memref<5x128x128xf32, #tpu.memory_space<vmem>>, vector<1x1x16xf32>,
        %swap3A_470 = vector.shape_cast %swap3A_469 : vector<1x1x16xf32> to vector<16xf32>
        %swap3A_471 = vector.shape_cast %mul3A_464 : vector<16xf32> to vector<1x1x16xf32>
        tpu.vector_store %arg6[%swap3A_466, %swap3A_467, %swap3A_468], %swap3A_471 {strides = array<i32>} : memref<5x128x128xf32, #tpu.memory_space<vmem>>, vector<1x1x16xf32>,
        %get3A_472 = arith.constant 1 : i32
        %get3A_473 = arith.index_cast %get3A_472 : i32 to index
        %get3A_474 = arith.index_cast %scan3A_377 : i32 to index
        %get3A_475 = arith.constant 96 : index
        %get3A_476 = tpu.vector_load %arg6[%get3A_473, %get3A_474, %get3A_475] {strides = array<i32>} : memref<5x128x128xf32, #tpu.memory_space<vmem>>, vector<1x1x16xf32>,
        %get3A_477 = vector.shape_cast %get3A_476 : vector<1x1x16xf32> to vector<16xf32>
        %mul3A_478 = arith.constant 11.3137083 : f32
        %mul3A_479 = vector.broadcast %mul3A_478 : f32 to vector<16xf32>
        %mul3A_480 = arith.mulf %get3A_477, %mul3A_479 : vector<16xf32>
        %swap3A_481 = arith.constant 1 : i32
        %swap3A_482 = arith.index_cast %swap3A_481 : i32 to index
        %swap3A_483 = arith.index_cast %scan3A_377 : i32 to index
        %swap3A_484 = arith.constant 96 : index
        %swap3A_485 = tpu.vector_load %arg6[%swap3A_482, %swap3A_483, %swap3A_484] {strides = array<i32>} : memref<5x128x128xf32, #tpu.memory_space<vmem>>, vector<1x1x16xf32>,
        %swap3A_486 = vector.shape_cast %swap3A_485 : vector<1x1x16xf32> to vector<16xf32>
        %swap3A_487 = vector.shape_cast %mul3A_480 : vector<16xf32> to vector<1x1x16xf32>
        tpu.vector_store %arg6[%swap3A_482, %swap3A_483, %swap3A_484], %swap3A_487 {strides = array<i32>} : memref<5x128x128xf32, #tpu.memory_space<vmem>>, vector<1x1x16xf32>,
        %get3A_488 = arith.constant 1 : i32
        %get3A_489 = arith.index_cast %get3A_488 : i32 to index
        %get3A_490 = arith.index_cast %scan3A_377 : i32 to index
        %get3A_491 = arith.constant 112 : index
        %get3A_492 = tpu.vector_load %arg6[%get3A_489, %get3A_490, %get3A_491] {strides = array<i32>} : memref<5x128x128xf32, #tpu.memory_space<vmem>>, vector<1x1x16xf32>,
        %get3A_493 = vector.shape_cast %get3A_492 : vector<1x1x16xf32> to vector<16xf32>
        %mul3A_494 = arith.constant 11.3137083 : f32
        %mul3A_495 = vector.broadcast %mul3A_494 : f32 to vector<16xf32>
        %mul3A_496 = arith.mulf %get3A_493, %mul3A_495 : vector<16xf32>
        %swap3A_497 = arith.constant 1 : i32
        %swap3A_498 = arith.index_cast %swap3A_497 : i32 to index
        %swap3A_499 = arith.index_cast %scan3A_377 : i32 to index
        %swap3A_500 = arith.constant 112 : index
        %swap3A_501 = tpu.vector_load %arg6[%swap3A_498, %swap3A_499, %swap3A_500] {strides = array<i32>} : memref<5x128x128xf32, #tpu.memory_space<vmem>>, vector<1x1x16xf32>,
        %swap3A_502 = vector.shape_cast %swap3A_501 : vector<1x1x16xf32> to vector<16xf32>
        %swap3A_503 = vector.shape_cast %mul3A_496 : vector<16xf32> to vector<1x1x16xf32>
        tpu.vector_store %arg6[%swap3A_498, %swap3A_499, %swap3A_500], %swap3A_503 {strides = array<i32>} : memref<5x128x128xf32, #tpu.memory_space<vmem>>, vector<1x1x16xf32>,
      }
      %scan3A_216 = arith.constant 128 : i32
      %mul3A_217 = arith.constant 128 : i32
      %mul3A_218 = arith.muli %add3A_190, %mul3A_217 : i32
      %add3A_219 = arith.addi %mul3A_4, %mul3A_218 : i32
      %dma_start3A_220 = arith.constant 1 : i32
      %dma_start3A_221 = arith.constant 1 : i32
      %dma_start3A_222 = arith.constant 0 : i32
      %dma_start3A_223 = arith.constant 0 : i32
      %dma_start3A_224 = tpu.memref_slice %arg6[%dma_start3A_220, %dma_start3A_222, %dma_start3A_223] : memref<5x128x128xf32, #tpu.memory_space<vmem>> -> memref<1x128x128xf32, #tpu.memory_space<vmem>>
      %dma_start3A_225 = tpu.memref_squeeze %dma_start3A_224 : memref<1x128x128xf32, #tpu.memory_space<vmem>> -> memref<128x128xf32, #tpu.memory_space<vmem>>
      %dma_start3A_226 = arith.constant 0 : i32
      %dma_start3A_227 = tpu.memref_slice %arg4[%add3A_219, %dma_start3A_226] : memref<204800x128xf32, #tpu.memory_space<hbm>> -> memref<128x128xf32, #tpu.memory_space<hbm>>
      %dma_start3A_228 = tpu.memref_slice %arg8[%dma_start3A_221] : memref<5x!tpu.dma_semaphore, #tpu.memory_space<semaphore_mem>> -> memref<1x!tpu.dma_semaphore, #tpu.memory_space<semaphore_mem>>
      %dma_start3A_229 = tpu.memref_squeeze %dma_start3A_228 : memref<1x!tpu.dma_semaphore, #tpu.memory_space<semaphore_mem>> -> memref<!tpu.dma_semaphore, #tpu.memory_space<semaphore_mem>>
      %dma_start3A_230 = arith.constant 0 : i32
      %dma_start3A_231 = tpu.memref_slice %arg4[%add3A_219, %dma_start3A_230] : memref<204800x128xf32, #tpu.memory_space<hbm>> -> memref<128x128xf32, #tpu.memory_space<hbm>>
      %dma_start3A_232 = arith.constant 0 : i32
      %dma_start3A_233 = arith.constant 0 : i32
      %dma_start3A_234 = tpu.memref_slice %arg6[%dma_start3A_220, %dma_start3A_232, %dma_start3A_233] : memref<5x128x128xf32, #tpu.memory_space<vmem>> -> memref<1x128x128xf32, #tpu.memory_space<vmem>>
      %dma_start3A_235 = tpu.memref_squeeze %dma_start3A_234 : memref<1x128x128xf32, #tpu.memory_space<vmem>> -> memref<128x128xf32, #tpu.memory_space<vmem>>
      tpu.enqueue_dma source(%dma_start3A_235 : memref<128x128xf32, #tpu.memory_space<vmem>>) target(%dma_start3A_231 : memref<128x128xf32, #tpu.memory_space<hbm>>) target_semaphore(%dma_start3A_229 : memref<!tpu.dma_semaphore, #tpu.memory_space<semaphore_mem>>)
      %add3A_236 = arith.constant 2 : i32
      %add3A_237 = arith.addi %mul3A_144, %add3A_236 : i32
      %add3A_238 = arith.constant 3 : i32
      %add3A_239 = arith.addi %add3A_237, %add3A_238 : i32
      %lt3A_240 = arith.constant 50 : i32
      %lt3A_241 = arith.cmpi slt, %add3A_239, %lt3A_240 : i32
      %convert_element_type3A_242 = arith.extui %lt3A_241 : i1 to i32
      %cond3A_243 = arith.constant 0 : i32
      %cond3A_244 = arith.cmpi ne, %convert_element_type3A_242, %cond3A_243 : i32
      scf.if %cond3A_244 {
        %ge3A = arith.constant 5 : i32
        %ge3A_377 = arith.cmpi sge, %add3A_239, %ge3A : i32
        %convert_element_type3A_378 = arith.extui %ge3A_377 : i1 to i32
        %cond3A_379 = arith.constant 0 : i32
        %cond3A_380 = arith.cmpi ne, %convert_element_type3A_378, %cond3A_379 : i32
        scf.if %cond3A_380 {
          %sub3A = arith.constant 5 : i32
          %sub3A_395 = arith.subi %add3A_239, %sub3A : i32
          %mul3A_396 = arith.constant 128 : i32
          %mul3A_397 = arith.muli %sub3A_395, %mul3A_396 : i32
          %add3A_398 = arith.addi %mul3A_4, %mul3A_397 : i32
          %dma_wait3A_399 = arith.constant 0 : i32
          %dma_wait3A_400 = arith.constant 0 : i32
          %dma_wait3A_401 = arith.constant 0 : i32
          %dma_wait3A_402 = arith.constant 0 : i32
          %dma_wait3A_403 = tpu.memref_slice %arg6[%dma_wait3A_399, %dma_wait3A_401, %dma_wait3A_402] : memref<5x128x128xf32, #tpu.memory_space<vmem>> -> memref<1x128x128xf32, #tpu.memory_space<vmem>>
          %dma_wait3A_404 = tpu.memref_squeeze %dma_wait3A_403 : memref<1x128x128xf32, #tpu.memory_space<vmem>> -> memref<128x128xf32, #tpu.memory_space<vmem>>
          %dma_wait3A_405 = arith.constant 0 : i32
          %dma_wait3A_406 = tpu.memref_slice %arg4[%add3A_398, %dma_wait3A_405] : memref<204800x128xf32, #tpu.memory_space<hbm>> -> memref<128x128xf32, #tpu.memory_space<hbm>>
          %dma_wait3A_407 = tpu.memref_slice %arg8[%dma_wait3A_400] : memref<5x!tpu.dma_semaphore, #tpu.memory_space<semaphore_mem>> -> memref<1x!tpu.dma_semaphore, #tpu.memory_space<semaphore_mem>>
          %dma_wait3A_408 = tpu.memref_squeeze %dma_wait3A_407 : memref<1x!tpu.dma_semaphore, #tpu.memory_space<semaphore_mem>> -> memref<!tpu.dma_semaphore, #tpu.memory_space<semaphore_mem>>
          %dma_wait3A_409 = arith.constant 0 : i32
          %dma_wait3A_410 = tpu.memref_slice %arg4[%add3A_398, %dma_wait3A_409] : memref<204800x128xf32, #tpu.memory_space<hbm>> -> memref<128x128xf32, #tpu.memory_space<hbm>>
          %dma_wait3A_411 = arith.constant 0 : i32
          %dma_wait3A_412 = arith.constant 0 : i32
          %dma_wait3A_413 = tpu.memref_slice %arg6[%dma_wait3A_399, %dma_wait3A_411, %dma_wait3A_412] : memref<5x128x128xf32, #tpu.memory_space<vmem>> -> memref<1x128x128xf32, #tpu.memory_space<vmem>>
          %dma_wait3A_414 = tpu.memref_squeeze %dma_wait3A_413 : memref<1x128x128xf32, #tpu.memory_space<vmem>> -> memref<128x128xf32, #tpu.memory_space<vmem>>
          tpu.wait_dma2 semaphore(%dma_wait3A_408 : memref<!tpu.dma_semaphore, #tpu.memory_space<semaphore_mem>>) src(%dma_wait3A_414 : memref<128x128xf32, #tpu.memory_space<vmem>>) dst(%dma_wait3A_410 : memref<128x128xf32, #tpu.memory_space<hbm>>)
        } else {
        }
        %dma_start3A_381 = arith.constant 0 : i32
        %dma_start3A_382 = arith.constant 0 : i32
        %dma_start3A_383 = arith.constant 0 : i32
        %dma_start3A_384 = arith.constant 0 : i32
        %dma_start3A_385 = tpu.memref_slice %arg6[%dma_start3A_381, %dma_start3A_383, %dma_start3A_384] : memref<5x128x128xf32, #tpu.memory_space<vmem>> -> memref<1x128x128xf32, #tpu.memory_space<vmem>>
        %dma_start3A_386 = tpu.memref_squeeze %dma_start3A_385 : memref<1x128x128xf32, #tpu.memory_space<vmem>> -> memref<128x128xf32, #tpu.memory_space<vmem>>
        %dma_start3A_387 = arith.constant 0 : i32
        %dma_start3A_388 = tpu.memref_slice %arg5[%add3A_239, %dma_start3A_387] : memref<50x128xi32, #tpu.memory_space<vmem>> -> memref<1x128xi32, #tpu.memory_space<vmem>>
        %dma_start3A_389 = tpu.memref_squeeze %dma_start3A_388 : memref<1x128xi32, #tpu.memory_space<vmem>> -> memref<128xi32, #tpu.memory_space<vmem>>
        %dma_start3A_390 = arith.constant 0 : i32
        %dma_start3A_391 = arith.constant 0 : i32
        %dma_start3A_392 = tpu.memref_slice %arg3[%dma_start3A_390, %dma_start3A_391] : memref<100000x128xf32, #tpu.memory_space<hbm>> -> memref<100000x128xf32, #tpu.memory_space<hbm>>
        %dma_start3A_393 = tpu.memref_slice %arg7[%dma_start3A_382] : memref<5x!tpu.dma_semaphore, #tpu.memory_space<semaphore_mem>> -> memref<1x!tpu.dma_semaphore, #tpu.memory_space<semaphore_mem>>
        %dma_start3A_394 = tpu.memref_squeeze %dma_start3A_393 : memref<1x!tpu.dma_semaphore, #tpu.memory_space<semaphore_mem>> -> memref<!tpu.dma_semaphore, #tpu.memory_space<semaphore_mem>>
        tpu.enqueue_indirect_dma source(%dma_start3A_392 : memref<100000x128xf32, #tpu.memory_space<hbm>>) target(%dma_start3A_386 : memref<128x128xf32, #tpu.memory_space<vmem>>) offsets(%dma_start3A_389 : memref<128xi32, #tpu.memory_space<vmem>>) semaphore(%dma_start3A_394 : memref<!tpu.dma_semaphore, #tpu.memory_space<semaphore_mem>>)
      } else {
      }
      %dma_wait3A_245 = arith.constant 2 : i32
      %dma_wait3A_246 = arith.constant 2 : i32
      %dma_wait3A_247 = arith.constant 0 : i32
      %dma_wait3A_248 = arith.constant 0 : i32
      %dma_wait3A_249 = tpu.memref_slice %arg6[%dma_wait3A_245, %dma_wait3A_247, %dma_wait3A_248] : memref<5x128x128xf32, #tpu.memory_space<vmem>> -> memref<1x128x128xf32, #tpu.memory_space<vmem>>
      %dma_wait3A_250 = tpu.memref_squeeze %dma_wait3A_249 : memref<1x128x128xf32, #tpu.memory_space<vmem>> -> memref<128x128xf32, #tpu.memory_space<vmem>>
      %dma_wait3A_251 = arith.constant 0 : i32
      %dma_wait3A_252 = tpu.memref_slice %arg5[%add3A_237, %dma_wait3A_251] : memref<50x128xi32, #tpu.memory_space<vmem>> -> memref<1x128xi32, #tpu.memory_space<vmem>>
      %dma_wait3A_253 = tpu.memref_squeeze %dma_wait3A_252 : memref<1x128xi32, #tpu.memory_space<vmem>> -> memref<128xi32, #tpu.memory_space<vmem>>
      %dma_wait3A_254 = arith.constant 0 : i32
      %dma_wait3A_255 = arith.constant 0 : i32
      %dma_wait3A_256 = tpu.memref_slice %arg3[%dma_wait3A_254, %dma_wait3A_255] : memref<100000x128xf32, #tpu.memory_space<hbm>> -> memref<100000x128xf32, #tpu.memory_space<hbm>>
      %dma_wait3A_257 = tpu.memref_slice %arg7[%dma_wait3A_246] : memref<5x!tpu.dma_semaphore, #tpu.memory_space<semaphore_mem>> -> memref<1x!tpu.dma_semaphore, #tpu.memory_space<semaphore_mem>>
      %dma_wait3A_258 = tpu.memref_squeeze %dma_wait3A_257 : memref<1x!tpu.dma_semaphore, #tpu.memory_space<semaphore_mem>> -> memref<!tpu.dma_semaphore, #tpu.memory_space<semaphore_mem>>
      tpu.wait_indirect_dma semaphore(%dma_wait3A_258 : memref<!tpu.dma_semaphore, #tpu.memory_space<semaphore_mem>>) src(%dma_wait3A_256 : memref<100000x128xf32, #tpu.memory_space<hbm>>) dst(%dma_wait3A_250 : memref<128x128xf32, #tpu.memory_space<vmem>>)
      %scan3A_259 = arith.constant 0 : i32
      %scan3A_260 = arith.constant 128 : i32
      %scan3A_261 = arith.addi %scan3A_259, %scan3A_260 : i32
      %scan3A_262 = arith.constant 1 : i32
      scf.for %scan3A_377 = %scan3A_259 to %scan3A_261 step %scan3A_262  : i32 {
        %get3A = arith.constant 2 : i32
        %get3A_378 = arith.index_cast %get3A : i32 to index
        %get3A_379 = arith.index_cast %scan3A_377 : i32 to index
        %get3A_380 = arith.constant 0 : index
        %get3A_381 = tpu.vector_load %arg6[%get3A_378, %get3A_379, %get3A_380] {strides = array<i32>} : memref<5x128x128xf32, #tpu.memory_space<vmem>>, vector<1x1x16xf32>,
        %get3A_382 = vector.shape_cast %get3A_381 : vector<1x1x16xf32> to vector<16xf32>
        %mul3A_383 = arith.constant 11.3137083 : f32
        %mul3A_384 = vector.broadcast %mul3A_383 : f32 to vector<16xf32>
        %mul3A_385 = arith.mulf %get3A_382, %mul3A_384 : vector<16xf32>
        %swap3A = arith.constant 2 : i32
        %swap3A_386 = arith.index_cast %swap3A : i32 to index
        %swap3A_387 = arith.index_cast %scan3A_377 : i32 to index
        %swap3A_388 = arith.constant 0 : index
        %swap3A_389 = tpu.vector_load %arg6[%swap3A_386, %swap3A_387, %swap3A_388] {strides = array<i32>} : memref<5x128x128xf32, #tpu.memory_space<vmem>>, vector<1x1x16xf32>,
        %swap3A_390 = vector.shape_cast %swap3A_389 : vector<1x1x16xf32> to vector<16xf32>
        %swap3A_391 = vector.shape_cast %mul3A_385 : vector<16xf32> to vector<1x1x16xf32>
        tpu.vector_store %arg6[%swap3A_386, %swap3A_387, %swap3A_388], %swap3A_391 {strides = array<i32>} : memref<5x128x128xf32, #tpu.memory_space<vmem>>, vector<1x1x16xf32>,
        %get3A_392 = arith.constant 2 : i32
        %get3A_393 = arith.index_cast %get3A_392 : i32 to index
        %get3A_394 = arith.index_cast %scan3A_377 : i32 to index
        %get3A_395 = arith.constant 16 : index
        %get3A_396 = tpu.vector_load %arg6[%get3A_393, %get3A_394, %get3A_395] {strides = array<i32>} : memref<5x128x128xf32, #tpu.memory_space<vmem>>, vector<1x1x16xf32>,
        %get3A_397 = vector.shape_cast %get3A_396 : vector<1x1x16xf32> to vector<16xf32>
        %mul3A_398 = arith.constant 11.3137083 : f32
        %mul3A_399 = vector.broadcast %mul3A_398 : f32 to vector<16xf32>
        %mul3A_400 = arith.mulf %get3A_397, %mul3A_399 : vector<16xf32>
        %swap3A_401 = arith.constant 2 : i32
        %swap3A_402 = arith.index_cast %swap3A_401 : i32 to index
        %swap3A_403 = arith.index_cast %scan3A_377 : i32 to index
        %swap3A_404 = arith.constant 16 : index
        %swap3A_405 = tpu.vector_load %arg6[%swap3A_402, %swap3A_403, %swap3A_404] {strides = array<i32>} : memref<5x128x128xf32, #tpu.memory_space<vmem>>, vector<1x1x16xf32>,
        %swap3A_406 = vector.shape_cast %swap3A_405 : vector<1x1x16xf32> to vector<16xf32>
        %swap3A_407 = vector.shape_cast %mul3A_400 : vector<16xf32> to vector<1x1x16xf32>
        tpu.vector_store %arg6[%swap3A_402, %swap3A_403, %swap3A_404], %swap3A_407 {strides = array<i32>} : memref<5x128x128xf32, #tpu.memory_space<vmem>>, vector<1x1x16xf32>,
        %get3A_408 = arith.constant 2 : i32
        %get3A_409 = arith.index_cast %get3A_408 : i32 to index
        %get3A_410 = arith.index_cast %scan3A_377 : i32 to index
        %get3A_411 = arith.constant 32 : index
        %get3A_412 = tpu.vector_load %arg6[%get3A_409, %get3A_410, %get3A_411] {strides = array<i32>} : memref<5x128x128xf32, #tpu.memory_space<vmem>>, vector<1x1x16xf32>,
        %get3A_413 = vector.shape_cast %get3A_412 : vector<1x1x16xf32> to vector<16xf32>
        %mul3A_414 = arith.constant 11.3137083 : f32
        %mul3A_415 = vector.broadcast %mul3A_414 : f32 to vector<16xf32>
        %mul3A_416 = arith.mulf %get3A_413, %mul3A_415 : vector<16xf32>
        %swap3A_417 = arith.constant 2 : i32
        %swap3A_418 = arith.index_cast %swap3A_417 : i32 to index
        %swap3A_419 = arith.index_cast %scan3A_377 : i32 to index
        %swap3A_420 = arith.constant 32 : index
        %swap3A_421 = tpu.vector_load %arg6[%swap3A_418, %swap3A_419, %swap3A_420] {strides = array<i32>} : memref<5x128x128xf32, #tpu.memory_space<vmem>>, vector<1x1x16xf32>,
        %swap3A_422 = vector.shape_cast %swap3A_421 : vector<1x1x16xf32> to vector<16xf32>
        %swap3A_423 = vector.shape_cast %mul3A_416 : vector<16xf32> to vector<1x1x16xf32>
        tpu.vector_store %arg6[%swap3A_418, %swap3A_419, %swap3A_420], %swap3A_423 {strides = array<i32>} : memref<5x128x128xf32, #tpu.memory_space<vmem>>, vector<1x1x16xf32>,
        %get3A_424 = arith.constant 2 : i32
        %get3A_425 = arith.index_cast %get3A_424 : i32 to index
        %get3A_426 = arith.index_cast %scan3A_377 : i32 to index
        %get3A_427 = arith.constant 48 : index
        %get3A_428 = tpu.vector_load %arg6[%get3A_425, %get3A_426, %get3A_427] {strides = array<i32>} : memref<5x128x128xf32, #tpu.memory_space<vmem>>, vector<1x1x16xf32>,
        %get3A_429 = vector.shape_cast %get3A_428 : vector<1x1x16xf32> to vector<16xf32>
        %mul3A_430 = arith.constant 11.3137083 : f32
        %mul3A_431 = vector.broadcast %mul3A_430 : f32 to vector<16xf32>
        %mul3A_432 = arith.mulf %get3A_429, %mul3A_431 : vector<16xf32>
        %swap3A_433 = arith.constant 2 : i32
        %swap3A_434 = arith.index_cast %swap3A_433 : i32 to index
        %swap3A_435 = arith.index_cast %scan3A_377 : i32 to index
        %swap3A_436 = arith.constant 48 : index
        %swap3A_437 = tpu.vector_load %arg6[%swap3A_434, %swap3A_435, %swap3A_436] {strides = array<i32>} : memref<5x128x128xf32, #tpu.memory_space<vmem>>, vector<1x1x16xf32>,
        %swap3A_438 = vector.shape_cast %swap3A_437 : vector<1x1x16xf32> to vector<16xf32>
        %swap3A_439 = vector.shape_cast %mul3A_432 : vector<16xf32> to vector<1x1x16xf32>
        tpu.vector_store %arg6[%swap3A_434, %swap3A_435, %swap3A_436], %swap3A_439 {strides = array<i32>} : memref<5x128x128xf32, #tpu.memory_space<vmem>>, vector<1x1x16xf32>,
        %get3A_440 = arith.constant 2 : i32
        %get3A_441 = arith.index_cast %get3A_440 : i32 to index
        %get3A_442 = arith.index_cast %scan3A_377 : i32 to index
        %get3A_443 = arith.constant 64 : index
        %get3A_444 = tpu.vector_load %arg6[%get3A_441, %get3A_442, %get3A_443] {strides = array<i32>} : memref<5x128x128xf32, #tpu.memory_space<vmem>>, vector<1x1x16xf32>,
        %get3A_445 = vector.shape_cast %get3A_444 : vector<1x1x16xf32> to vector<16xf32>
        %mul3A_446 = arith.constant 11.3137083 : f32
        %mul3A_447 = vector.broadcast %mul3A_446 : f32 to vector<16xf32>
        %mul3A_448 = arith.mulf %get3A_445, %mul3A_447 : vector<16xf32>
        %swap3A_449 = arith.constant 2 : i32
        %swap3A_450 = arith.index_cast %swap3A_449 : i32 to index
        %swap3A_451 = arith.index_cast %scan3A_377 : i32 to index
        %swap3A_452 = arith.constant 64 : index
        %swap3A_453 = tpu.vector_load %arg6[%swap3A_450, %swap3A_451, %swap3A_452] {strides = array<i32>} : memref<5x128x128xf32, #tpu.memory_space<vmem>>, vector<1x1x16xf32>,
        %swap3A_454 = vector.shape_cast %swap3A_453 : vector<1x1x16xf32> to vector<16xf32>
        %swap3A_455 = vector.shape_cast %mul3A_448 : vector<16xf32> to vector<1x1x16xf32>
        tpu.vector_store %arg6[%swap3A_450, %swap3A_451, %swap3A_452], %swap3A_455 {strides = array<i32>} : memref<5x128x128xf32, #tpu.memory_space<vmem>>, vector<1x1x16xf32>,
        %get3A_456 = arith.constant 2 : i32
        %get3A_457 = arith.index_cast %get3A_456 : i32 to index
        %get3A_458 = arith.index_cast %scan3A_377 : i32 to index
        %get3A_459 = arith.constant 80 : index
        %get3A_460 = tpu.vector_load %arg6[%get3A_457, %get3A_458, %get3A_459] {strides = array<i32>} : memref<5x128x128xf32, #tpu.memory_space<vmem>>, vector<1x1x16xf32>,
        %get3A_461 = vector.shape_cast %get3A_460 : vector<1x1x16xf32> to vector<16xf32>
        %mul3A_462 = arith.constant 11.3137083 : f32
        %mul3A_463 = vector.broadcast %mul3A_462 : f32 to vector<16xf32>
        %mul3A_464 = arith.mulf %get3A_461, %mul3A_463 : vector<16xf32>
        %swap3A_465 = arith.constant 2 : i32
        %swap3A_466 = arith.index_cast %swap3A_465 : i32 to index
        %swap3A_467 = arith.index_cast %scan3A_377 : i32 to index
        %swap3A_468 = arith.constant 80 : index
        %swap3A_469 = tpu.vector_load %arg6[%swap3A_466, %swap3A_467, %swap3A_468] {strides = array<i32>} : memref<5x128x128xf32, #tpu.memory_space<vmem>>, vector<1x1x16xf32>,
        %swap3A_470 = vector.shape_cast %swap3A_469 : vector<1x1x16xf32> to vector<16xf32>
        %swap3A_471 = vector.shape_cast %mul3A_464 : vector<16xf32> to vector<1x1x16xf32>
        tpu.vector_store %arg6[%swap3A_466, %swap3A_467, %swap3A_468], %swap3A_471 {strides = array<i32>} : memref<5x128x128xf32, #tpu.memory_space<vmem>>, vector<1x1x16xf32>,
        %get3A_472 = arith.constant 2 : i32
        %get3A_473 = arith.index_cast %get3A_472 : i32 to index
        %get3A_474 = arith.index_cast %scan3A_377 : i32 to index
        %get3A_475 = arith.constant 96 : index
        %get3A_476 = tpu.vector_load %arg6[%get3A_473, %get3A_474, %get3A_475] {strides = array<i32>} : memref<5x128x128xf32, #tpu.memory_space<vmem>>, vector<1x1x16xf32>,
        %get3A_477 = vector.shape_cast %get3A_476 : vector<1x1x16xf32> to vector<16xf32>
        %mul3A_478 = arith.constant 11.3137083 : f32
        %mul3A_479 = vector.broadcast %mul3A_478 : f32 to vector<16xf32>
        %mul3A_480 = arith.mulf %get3A_477, %mul3A_479 : vector<16xf32>
        %swap3A_481 = arith.constant 2 : i32
        %swap3A_482 = arith.index_cast %swap3A_481 : i32 to index
        %swap3A_483 = arith.index_cast %scan3A_377 : i32 to index
        %swap3A_484 = arith.constant 96 : index
        %swap3A_485 = tpu.vector_load %arg6[%swap3A_482, %swap3A_483, %swap3A_484] {strides = array<i32>} : memref<5x128x128xf32, #tpu.memory_space<vmem>>, vector<1x1x16xf32>,
        %swap3A_486 = vector.shape_cast %swap3A_485 : vector<1x1x16xf32> to vector<16xf32>
        %swap3A_487 = vector.shape_cast %mul3A_480 : vector<16xf32> to vector<1x1x16xf32>
        tpu.vector_store %arg6[%swap3A_482, %swap3A_483, %swap3A_484], %swap3A_487 {strides = array<i32>} : memref<5x128x128xf32, #tpu.memory_space<vmem>>, vector<1x1x16xf32>,
        %get3A_488 = arith.constant 2 : i32
        %get3A_489 = arith.index_cast %get3A_488 : i32 to index
        %get3A_490 = arith.index_cast %scan3A_377 : i32 to index
        %get3A_491 = arith.constant 112 : index
        %get3A_492 = tpu.vector_load %arg6[%get3A_489, %get3A_490, %get3A_491] {strides = array<i32>} : memref<5x128x128xf32, #tpu.memory_space<vmem>>, vector<1x1x16xf32>,
        %get3A_493 = vector.shape_cast %get3A_492 : vector<1x1x16xf32> to vector<16xf32>
        %mul3A_494 = arith.constant 11.3137083 : f32
        %mul3A_495 = vector.broadcast %mul3A_494 : f32 to vector<16xf32>
        %mul3A_496 = arith.mulf %get3A_493, %mul3A_495 : vector<16xf32>
        %swap3A_497 = arith.constant 2 : i32
        %swap3A_498 = arith.index_cast %swap3A_497 : i32 to index
        %swap3A_499 = arith.index_cast %scan3A_377 : i32 to index
        %swap3A_500 = arith.constant 112 : index
        %swap3A_501 = tpu.vector_load %arg6[%swap3A_498, %swap3A_499, %swap3A_500] {strides = array<i32>} : memref<5x128x128xf32, #tpu.memory_space<vmem>>, vector<1x1x16xf32>,
        %swap3A_502 = vector.shape_cast %swap3A_501 : vector<1x1x16xf32> to vector<16xf32>
        %swap3A_503 = vector.shape_cast %mul3A_496 : vector<16xf32> to vector<1x1x16xf32>
        tpu.vector_store %arg6[%swap3A_498, %swap3A_499, %swap3A_500], %swap3A_503 {strides = array<i32>} : memref<5x128x128xf32, #tpu.memory_space<vmem>>, vector<1x1x16xf32>,
      }
      %scan3A_263 = arith.constant 128 : i32
      %mul3A_264 = arith.constant 128 : i32
      %mul3A_265 = arith.muli %add3A_237, %mul3A_264 : i32
      %add3A_266 = arith.addi %mul3A_4, %mul3A_265 : i32
      %dma_start3A_267 = arith.constant 2 : i32
      %dma_start3A_268 = arith.constant 2 : i32
      %dma_start3A_269 = arith.constant 0 : i32
      %dma_start3A_270 = arith.constant 0 : i32
      %dma_start3A_271 = tpu.memref_slice %arg6[%dma_start3A_267, %dma_start3A_269, %dma_start3A_270] : memref<5x128x128xf32, #tpu.memory_space<vmem>> -> memref<1x128x128xf32, #tpu.memory_space<vmem>>
      %dma_start3A_272 = tpu.memref_squeeze %dma_start3A_271 : memref<1x128x128xf32, #tpu.memory_space<vmem>> -> memref<128x128xf32, #tpu.memory_space<vmem>>
      %dma_start3A_273 = arith.constant 0 : i32
      %dma_start3A_274 = tpu.memref_slice %arg4[%add3A_266, %dma_start3A_273] : memref<204800x128xf32, #tpu.memory_space<hbm>> -> memref<128x128xf32, #tpu.memory_space<hbm>>
      %dma_start3A_275 = tpu.memref_slice %arg8[%dma_start3A_268] : memref<5x!tpu.dma_semaphore, #tpu.memory_space<semaphore_mem>> -> memref<1x!tpu.dma_semaphore, #tpu.memory_space<semaphore_mem>>
      %dma_start3A_276 = tpu.memref_squeeze %dma_start3A_275 : memref<1x!tpu.dma_semaphore, #tpu.memory_space<semaphore_mem>> -> memref<!tpu.dma_semaphore, #tpu.memory_space<semaphore_mem>>
      %dma_start3A_277 = arith.constant 0 : i32
      %dma_start3A_278 = tpu.memref_slice %arg4[%add3A_266, %dma_start3A_277] : memref<204800x128xf32, #tpu.memory_space<hbm>> -> memref<128x128xf32, #tpu.memory_space<hbm>>
      %dma_start3A_279 = arith.constant 0 : i32
      %dma_start3A_280 = arith.constant 0 : i32
      %dma_start3A_281 = tpu.memref_slice %arg6[%dma_start3A_267, %dma_start3A_279, %dma_start3A_280] : memref<5x128x128xf32, #tpu.memory_space<vmem>> -> memref<1x128x128xf32, #tpu.memory_space<vmem>>
      %dma_start3A_282 = tpu.memref_squeeze %dma_start3A_281 : memref<1x128x128xf32, #tpu.memory_space<vmem>> -> memref<128x128xf32, #tpu.memory_space<vmem>>
      tpu.enqueue_dma source(%dma_start3A_282 : memref<128x128xf32, #tpu.memory_space<vmem>>) target(%dma_start3A_278 : memref<128x128xf32, #tpu.memory_space<hbm>>) target_semaphore(%dma_start3A_276 : memref<!tpu.dma_semaphore, #tpu.memory_space<semaphore_mem>>)
      %add3A_283 = arith.constant 3 : i32
      %add3A_284 = arith.addi %mul3A_144, %add3A_283 : i32
      %add3A_285 = arith.constant 3 : i32
      %add3A_286 = arith.addi %add3A_284, %add3A_285 : i32
      %lt3A_287 = arith.constant 50 : i32
      %lt3A_288 = arith.cmpi slt, %add3A_286, %lt3A_287 : i32
      %convert_element_type3A_289 = arith.extui %lt3A_288 : i1 to i32
      %cond3A_290 = arith.constant 0 : i32
      %cond3A_291 = arith.cmpi ne, %convert_element_type3A_289, %cond3A_290 : i32
      scf.if %cond3A_291 {
        %ge3A = arith.constant 5 : i32
        %ge3A_377 = arith.cmpi sge, %add3A_286, %ge3A : i32
        %convert_element_type3A_378 = arith.extui %ge3A_377 : i1 to i32
        %cond3A_379 = arith.constant 0 : i32
        %cond3A_380 = arith.cmpi ne, %convert_element_type3A_378, %cond3A_379 : i32
        scf.if %cond3A_380 {
          %sub3A = arith.constant 5 : i32
          %sub3A_395 = arith.subi %add3A_286, %sub3A : i32
          %mul3A_396 = arith.constant 128 : i32
          %mul3A_397 = arith.muli %sub3A_395, %mul3A_396 : i32
          %add3A_398 = arith.addi %mul3A_4, %mul3A_397 : i32
          %dma_wait3A_399 = arith.constant 1 : i32
          %dma_wait3A_400 = arith.constant 1 : i32
          %dma_wait3A_401 = arith.constant 0 : i32
          %dma_wait3A_402 = arith.constant 0 : i32
          %dma_wait3A_403 = tpu.memref_slice %arg6[%dma_wait3A_399, %dma_wait3A_401, %dma_wait3A_402] : memref<5x128x128xf32, #tpu.memory_space<vmem>> -> memref<1x128x128xf32, #tpu.memory_space<vmem>>
          %dma_wait3A_404 = tpu.memref_squeeze %dma_wait3A_403 : memref<1x128x128xf32, #tpu.memory_space<vmem>> -> memref<128x128xf32, #tpu.memory_space<vmem>>
          %dma_wait3A_405 = arith.constant 0 : i32
          %dma_wait3A_406 = tpu.memref_slice %arg4[%add3A_398, %dma_wait3A_405] : memref<204800x128xf32, #tpu.memory_space<hbm>> -> memref<128x128xf32, #tpu.memory_space<hbm>>
          %dma_wait3A_407 = tpu.memref_slice %arg8[%dma_wait3A_400] : memref<5x!tpu.dma_semaphore, #tpu.memory_space<semaphore_mem>> -> memref<1x!tpu.dma_semaphore, #tpu.memory_space<semaphore_mem>>
          %dma_wait3A_408 = tpu.memref_squeeze %dma_wait3A_407 : memref<1x!tpu.dma_semaphore, #tpu.memory_space<semaphore_mem>> -> memref<!tpu.dma_semaphore, #tpu.memory_space<semaphore_mem>>
          %dma_wait3A_409 = arith.constant 0 : i32
          %dma_wait3A_410 = tpu.memref_slice %arg4[%add3A_398, %dma_wait3A_409] : memref<204800x128xf32, #tpu.memory_space<hbm>> -> memref<128x128xf32, #tpu.memory_space<hbm>>
          %dma_wait3A_411 = arith.constant 0 : i32
          %dma_wait3A_412 = arith.constant 0 : i32
          %dma_wait3A_413 = tpu.memref_slice %arg6[%dma_wait3A_399, %dma_wait3A_411, %dma_wait3A_412] : memref<5x128x128xf32, #tpu.memory_space<vmem>> -> memref<1x128x128xf32, #tpu.memory_space<vmem>>
          %dma_wait3A_414 = tpu.memref_squeeze %dma_wait3A_413 : memref<1x128x128xf32, #tpu.memory_space<vmem>> -> memref<128x128xf32, #tpu.memory_space<vmem>>
          tpu.wait_dma2 semaphore(%dma_wait3A_408 : memref<!tpu.dma_semaphore, #tpu.memory_space<semaphore_mem>>) src(%dma_wait3A_414 : memref<128x128xf32, #tpu.memory_space<vmem>>) dst(%dma_wait3A_410 : memref<128x128xf32, #tpu.memory_space<hbm>>)
        } else {
        }
        %dma_start3A_381 = arith.constant 1 : i32
        %dma_start3A_382 = arith.constant 1 : i32
        %dma_start3A_383 = arith.constant 0 : i32
        %dma_start3A_384 = arith.constant 0 : i32
        %dma_start3A_385 = tpu.memref_slice %arg6[%dma_start3A_381, %dma_start3A_383, %dma_start3A_384] : memref<5x128x128xf32, #tpu.memory_space<vmem>> -> memref<1x128x128xf32, #tpu.memory_space<vmem>>
        %dma_start3A_386 = tpu.memref_squeeze %dma_start3A_385 : memref<1x128x128xf32, #tpu.memory_space<vmem>> -> memref<128x128xf32, #tpu.memory_space<vmem>>
        %dma_start3A_387 = arith.constant 0 : i32
        %dma_start3A_388 = tpu.memref_slice %arg5[%add3A_286, %dma_start3A_387] : memref<50x128xi32, #tpu.memory_space<vmem>> -> memref<1x128xi32, #tpu.memory_space<vmem>>
        %dma_start3A_389 = tpu.memref_squeeze %dma_start3A_388 : memref<1x128xi32, #tpu.memory_space<vmem>> -> memref<128xi32, #tpu.memory_space<vmem>>
        %dma_start3A_390 = arith.constant 0 : i32
        %dma_start3A_391 = arith.constant 0 : i32
        %dma_start3A_392 = tpu.memref_slice %arg3[%dma_start3A_390, %dma_start3A_391] : memref<100000x128xf32, #tpu.memory_space<hbm>> -> memref<100000x128xf32, #tpu.memory_space<hbm>>
        %dma_start3A_393 = tpu.memref_slice %arg7[%dma_start3A_382] : memref<5x!tpu.dma_semaphore, #tpu.memory_space<semaphore_mem>> -> memref<1x!tpu.dma_semaphore, #tpu.memory_space<semaphore_mem>>
        %dma_start3A_394 = tpu.memref_squeeze %dma_start3A_393 : memref<1x!tpu.dma_semaphore, #tpu.memory_space<semaphore_mem>> -> memref<!tpu.dma_semaphore, #tpu.memory_space<semaphore_mem>>
        tpu.enqueue_indirect_dma source(%dma_start3A_392 : memref<100000x128xf32, #tpu.memory_space<hbm>>) target(%dma_start3A_386 : memref<128x128xf32, #tpu.memory_space<vmem>>) offsets(%dma_start3A_389 : memref<128xi32, #tpu.memory_space<vmem>>) semaphore(%dma_start3A_394 : memref<!tpu.dma_semaphore, #tpu.memory_space<semaphore_mem>>)
      } else {
      }
      %dma_wait3A_292 = arith.constant 3 : i32
      %dma_wait3A_293 = arith.constant 3 : i32
      %dma_wait3A_294 = arith.constant 0 : i32
      %dma_wait3A_295 = arith.constant 0 : i32
      %dma_wait3A_296 = tpu.memref_slice %arg6[%dma_wait3A_292, %dma_wait3A_294, %dma_wait3A_295] : memref<5x128x128xf32, #tpu.memory_space<vmem>> -> memref<1x128x128xf32, #tpu.memory_space<vmem>>
      %dma_wait3A_297 = tpu.memref_squeeze %dma_wait3A_296 : memref<1x128x128xf32, #tpu.memory_space<vmem>> -> memref<128x128xf32, #tpu.memory_space<vmem>>
      %dma_wait3A_298 = arith.constant 0 : i32
      %dma_wait3A_299 = tpu.memref_slice %arg5[%add3A_284, %dma_wait3A_298] : memref<50x128xi32, #tpu.memory_space<vmem>> -> memref<1x128xi32, #tpu.memory_space<vmem>>
      %dma_wait3A_300 = tpu.memref_squeeze %dma_wait3A_299 : memref<1x128xi32, #tpu.memory_space<vmem>> -> memref<128xi32, #tpu.memory_space<vmem>>
      %dma_wait3A_301 = arith.constant 0 : i32
      %dma_wait3A_302 = arith.constant 0 : i32
      %dma_wait3A_303 = tpu.memref_slice %arg3[%dma_wait3A_301, %dma_wait3A_302] : memref<100000x128xf32, #tpu.memory_space<hbm>> -> memref<100000x128xf32, #tpu.memory_space<hbm>>
      %dma_wait3A_304 = tpu.memref_slice %arg7[%dma_wait3A_293] : memref<5x!tpu.dma_semaphore, #tpu.memory_space<semaphore_mem>> -> memref<1x!tpu.dma_semaphore, #tpu.memory_space<semaphore_mem>>
      %dma_wait3A_305 = tpu.memref_squeeze %dma_wait3A_304 : memref<1x!tpu.dma_semaphore, #tpu.memory_space<semaphore_mem>> -> memref<!tpu.dma_semaphore, #tpu.memory_space<semaphore_mem>>
      tpu.wait_indirect_dma semaphore(%dma_wait3A_305 : memref<!tpu.dma_semaphore, #tpu.memory_space<semaphore_mem>>) src(%dma_wait3A_303 : memref<100000x128xf32, #tpu.memory_space<hbm>>) dst(%dma_wait3A_297 : memref<128x128xf32, #tpu.memory_space<vmem>>)
      %scan3A_306 = arith.constant 0 : i32
      %scan3A_307 = arith.constant 128 : i32
      %scan3A_308 = arith.addi %scan3A_306, %scan3A_307 : i32
      %scan3A_309 = arith.constant 1 : i32
      scf.for %scan3A_377 = %scan3A_306 to %scan3A_308 step %scan3A_309  : i32 {
        %get3A = arith.constant 3 : i32
        %get3A_378 = arith.index_cast %get3A : i32 to index
        %get3A_379 = arith.index_cast %scan3A_377 : i32 to index
        %get3A_380 = arith.constant 0 : index
        %get3A_381 = tpu.vector_load %arg6[%get3A_378, %get3A_379, %get3A_380] {strides = array<i32>} : memref<5x128x128xf32, #tpu.memory_space<vmem>>, vector<1x1x16xf32>,
        %get3A_382 = vector.shape_cast %get3A_381 : vector<1x1x16xf32> to vector<16xf32>
        %mul3A_383 = arith.constant 11.3137083 : f32
        %mul3A_384 = vector.broadcast %mul3A_383 : f32 to vector<16xf32>
        %mul3A_385 = arith.mulf %get3A_382, %mul3A_384 : vector<16xf32>
        %swap3A = arith.constant 3 : i32
        %swap3A_386 = arith.index_cast %swap3A : i32 to index
        %swap3A_387 = arith.index_cast %scan3A_377 : i32 to index
        %swap3A_388 = arith.constant 0 : index
        %swap3A_389 = tpu.vector_load %arg6[%swap3A_386, %swap3A_387, %swap3A_388] {strides = array<i32>} : memref<5x128x128xf32, #tpu.memory_space<vmem>>, vector<1x1x16xf32>,
        %swap3A_390 = vector.shape_cast %swap3A_389 : vector<1x1x16xf32> to vector<16xf32>
        %swap3A_391 = vector.shape_cast %mul3A_385 : vector<16xf32> to vector<1x1x16xf32>
        tpu.vector_store %arg6[%swap3A_386, %swap3A_387, %swap3A_388], %swap3A_391 {strides = array<i32>} : memref<5x128x128xf32, #tpu.memory_space<vmem>>, vector<1x1x16xf32>,
        %get3A_392 = arith.constant 3 : i32
        %get3A_393 = arith.index_cast %get3A_392 : i32 to index
        %get3A_394 = arith.index_cast %scan3A_377 : i32 to index
        %get3A_395 = arith.constant 16 : index
        %get3A_396 = tpu.vector_load %arg6[%get3A_393, %get3A_394, %get3A_395] {strides = array<i32>} : memref<5x128x128xf32, #tpu.memory_space<vmem>>, vector<1x1x16xf32>,
        %get3A_397 = vector.shape_cast %get3A_396 : vector<1x1x16xf32> to vector<16xf32>
        %mul3A_398 = arith.constant 11.3137083 : f32
        %mul3A_399 = vector.broadcast %mul3A_398 : f32 to vector<16xf32>
        %mul3A_400 = arith.mulf %get3A_397, %mul3A_399 : vector<16xf32>
        %swap3A_401 = arith.constant 3 : i32
        %swap3A_402 = arith.index_cast %swap3A_401 : i32 to index
        %swap3A_403 = arith.index_cast %scan3A_377 : i32 to index
        %swap3A_404 = arith.constant 16 : index
        %swap3A_405 = tpu.vector_load %arg6[%swap3A_402, %swap3A_403, %swap3A_404] {strides = array<i32>} : memref<5x128x128xf32, #tpu.memory_space<vmem>>, vector<1x1x16xf32>,
        %swap3A_406 = vector.shape_cast %swap3A_405 : vector<1x1x16xf32> to vector<16xf32>
        %swap3A_407 = vector.shape_cast %mul3A_400 : vector<16xf32> to vector<1x1x16xf32>
        tpu.vector_store %arg6[%swap3A_402, %swap3A_403, %swap3A_404], %swap3A_407 {strides = array<i32>} : memref<5x128x128xf32, #tpu.memory_space<vmem>>, vector<1x1x16xf32>,
        %get3A_408 = arith.constant 3 : i32
        %get3A_409 = arith.index_cast %get3A_408 : i32 to index
        %get3A_410 = arith.index_cast %scan3A_377 : i32 to index
        %get3A_411 = arith.constant 32 : index
        %get3A_412 = tpu.vector_load %arg6[%get3A_409, %get3A_410, %get3A_411] {strides = array<i32>} : memref<5x128x128xf32, #tpu.memory_space<vmem>>, vector<1x1x16xf32>,
        %get3A_413 = vector.shape_cast %get3A_412 : vector<1x1x16xf32> to vector<16xf32>
        %mul3A_414 = arith.constant 11.3137083 : f32
        %mul3A_415 = vector.broadcast %mul3A_414 : f32 to vector<16xf32>
        %mul3A_416 = arith.mulf %get3A_413, %mul3A_415 : vector<16xf32>
        %swap3A_417 = arith.constant 3 : i32
        %swap3A_418 = arith.index_cast %swap3A_417 : i32 to index
        %swap3A_419 = arith.index_cast %scan3A_377 : i32 to index
        %swap3A_420 = arith.constant 32 : index
        %swap3A_421 = tpu.vector_load %arg6[%swap3A_418, %swap3A_419, %swap3A_420] {strides = array<i32>} : memref<5x128x128xf32, #tpu.memory_space<vmem>>, vector<1x1x16xf32>,
        %swap3A_422 = vector.shape_cast %swap3A_421 : vector<1x1x16xf32> to vector<16xf32>
        %swap3A_423 = vector.shape_cast %mul3A_416 : vector<16xf32> to vector<1x1x16xf32>
        tpu.vector_store %arg6[%swap3A_418, %swap3A_419, %swap3A_420], %swap3A_423 {strides = array<i32>} : memref<5x128x128xf32, #tpu.memory_space<vmem>>, vector<1x1x16xf32>,
        %get3A_424 = arith.constant 3 : i32
        %get3A_425 = arith.index_cast %get3A_424 : i32 to index
        %get3A_426 = arith.index_cast %scan3A_377 : i32 to index
        %get3A_427 = arith.constant 48 : index
        %get3A_428 = tpu.vector_load %arg6[%get3A_425, %get3A_426, %get3A_427] {strides = array<i32>} : memref<5x128x128xf32, #tpu.memory_space<vmem>>, vector<1x1x16xf32>,
        %get3A_429 = vector.shape_cast %get3A_428 : vector<1x1x16xf32> to vector<16xf32>
        %mul3A_430 = arith.constant 11.3137083 : f32
        %mul3A_431 = vector.broadcast %mul3A_430 : f32 to vector<16xf32>
        %mul3A_432 = arith.mulf %get3A_429, %mul3A_431 : vector<16xf32>
        %swap3A_433 = arith.constant 3 : i32
        %swap3A_434 = arith.index_cast %swap3A_433 : i32 to index
        %swap3A_435 = arith.index_cast %scan3A_377 : i32 to index
        %swap3A_436 = arith.constant 48 : index
        %swap3A_437 = tpu.vector_load %arg6[%swap3A_434, %swap3A_435, %swap3A_436] {strides = array<i32>} : memref<5x128x128xf32, #tpu.memory_space<vmem>>, vector<1x1x16xf32>,
        %swap3A_438 = vector.shape_cast %swap3A_437 : vector<1x1x16xf32> to vector<16xf32>
        %swap3A_439 = vector.shape_cast %mul3A_432 : vector<16xf32> to vector<1x1x16xf32>
        tpu.vector_store %arg6[%swap3A_434, %swap3A_435, %swap3A_436], %swap3A_439 {strides = array<i32>} : memref<5x128x128xf32, #tpu.memory_space<vmem>>, vector<1x1x16xf32>,
        %get3A_440 = arith.constant 3 : i32
        %get3A_441 = arith.index_cast %get3A_440 : i32 to index
        %get3A_442 = arith.index_cast %scan3A_377 : i32 to index
        %get3A_443 = arith.constant 64 : index
        %get3A_444 = tpu.vector_load %arg6[%get3A_441, %get3A_442, %get3A_443] {strides = array<i32>} : memref<5x128x128xf32, #tpu.memory_space<vmem>>, vector<1x1x16xf32>,
        %get3A_445 = vector.shape_cast %get3A_444 : vector<1x1x16xf32> to vector<16xf32>
        %mul3A_446 = arith.constant 11.3137083 : f32
        %mul3A_447 = vector.broadcast %mul3A_446 : f32 to vector<16xf32>
        %mul3A_448 = arith.mulf %get3A_445, %mul3A_447 : vector<16xf32>
        %swap3A_449 = arith.constant 3 : i32
        %swap3A_450 = arith.index_cast %swap3A_449 : i32 to index
        %swap3A_451 = arith.index_cast %scan3A_377 : i32 to index
        %swap3A_452 = arith.constant 64 : index
        %swap3A_453 = tpu.vector_load %arg6[%swap3A_450, %swap3A_451, %swap3A_452] {strides = array<i32>} : memref<5x128x128xf32, #tpu.memory_space<vmem>>, vector<1x1x16xf32>,
        %swap3A_454 = vector.shape_cast %swap3A_453 : vector<1x1x16xf32> to vector<16xf32>
        %swap3A_455 = vector.shape_cast %mul3A_448 : vector<16xf32> to vector<1x1x16xf32>
        tpu.vector_store %arg6[%swap3A_450, %swap3A_451, %swap3A_452], %swap3A_455 {strides = array<i32>} : memref<5x128x128xf32, #tpu.memory_space<vmem>>, vector<1x1x16xf32>,
        %get3A_456 = arith.constant 3 : i32
        %get3A_457 = arith.index_cast %get3A_456 : i32 to index
        %get3A_458 = arith.index_cast %scan3A_377 : i32 to index
        %get3A_459 = arith.constant 80 : index
        %get3A_460 = tpu.vector_load %arg6[%get3A_457, %get3A_458, %get3A_459] {strides = array<i32>} : memref<5x128x128xf32, #tpu.memory_space<vmem>>, vector<1x1x16xf32>,
        %get3A_461 = vector.shape_cast %get3A_460 : vector<1x1x16xf32> to vector<16xf32>
        %mul3A_462 = arith.constant 11.3137083 : f32
        %mul3A_463 = vector.broadcast %mul3A_462 : f32 to vector<16xf32>
        %mul3A_464 = arith.mulf %get3A_461, %mul3A_463 : vector<16xf32>
        %swap3A_465 = arith.constant 3 : i32
        %swap3A_466 = arith.index_cast %swap3A_465 : i32 to index
        %swap3A_467 = arith.index_cast %scan3A_377 : i32 to index
        %swap3A_468 = arith.constant 80 : index
        %swap3A_469 = tpu.vector_load %arg6[%swap3A_466, %swap3A_467, %swap3A_468] {strides = array<i32>} : memref<5x128x128xf32, #tpu.memory_space<vmem>>, vector<1x1x16xf32>,
        %swap3A_470 = vector.shape_cast %swap3A_469 : vector<1x1x16xf32> to vector<16xf32>
        %swap3A_471 = vector.shape_cast %mul3A_464 : vector<16xf32> to vector<1x1x16xf32>
        tpu.vector_store %arg6[%swap3A_466, %swap3A_467, %swap3A_468], %swap3A_471 {strides = array<i32>} : memref<5x128x128xf32, #tpu.memory_space<vmem>>, vector<1x1x16xf32>,
        %get3A_472 = arith.constant 3 : i32
        %get3A_473 = arith.index_cast %get3A_472 : i32 to index
        %get3A_474 = arith.index_cast %scan3A_377 : i32 to index
        %get3A_475 = arith.constant 96 : index
        %get3A_476 = tpu.vector_load %arg6[%get3A_473, %get3A_474, %get3A_475] {strides = array<i32>} : memref<5x128x128xf32, #tpu.memory_space<vmem>>, vector<1x1x16xf32>,
        %get3A_477 = vector.shape_cast %get3A_476 : vector<1x1x16xf32> to vector<16xf32>
        %mul3A_478 = arith.constant 11.3137083 : f32
        %mul3A_479 = vector.broadcast %mul3A_478 : f32 to vector<16xf32>
        %mul3A_480 = arith.mulf %get3A_477, %mul3A_479 : vector<16xf32>
        %swap3A_481 = arith.constant 3 : i32
        %swap3A_482 = arith.index_cast %swap3A_481 : i32 to index
        %swap3A_483 = arith.index_cast %scan3A_377 : i32 to index
        %swap3A_484 = arith.constant 96 : index
        %swap3A_485 = tpu.vector_load %arg6[%swap3A_482, %swap3A_483, %swap3A_484] {strides = array<i32>} : memref<5x128x128xf32, #tpu.memory_space<vmem>>, vector<1x1x16xf32>,
        %swap3A_486 = vector.shape_cast %swap3A_485 : vector<1x1x16xf32> to vector<16xf32>
        %swap3A_487 = vector.shape_cast %mul3A_480 : vector<16xf32> to vector<1x1x16xf32>
        tpu.vector_store %arg6[%swap3A_482, %swap3A_483, %swap3A_484], %swap3A_487 {strides = array<i32>} : memref<5x128x128xf32, #tpu.memory_space<vmem>>, vector<1x1x16xf32>,
        %get3A_488 = arith.constant 3 : i32
        %get3A_489 = arith.index_cast %get3A_488 : i32 to index
        %get3A_490 = arith.index_cast %scan3A_377 : i32 to index
        %get3A_491 = arith.constant 112 : index
        %get3A_492 = tpu.vector_load %arg6[%get3A_489, %get3A_490, %get3A_491] {strides = array<i32>} : memref<5x128x128xf32, #tpu.memory_space<vmem>>, vector<1x1x16xf32>,
        %get3A_493 = vector.shape_cast %get3A_492 : vector<1x1x16xf32> to vector<16xf32>
        %mul3A_494 = arith.constant 11.3137083 : f32
        %mul3A_495 = vector.broadcast %mul3A_494 : f32 to vector<16xf32>
        %mul3A_496 = arith.mulf %get3A_493, %mul3A_495 : vector<16xf32>
        %swap3A_497 = arith.constant 3 : i32
        %swap3A_498 = arith.index_cast %swap3A_497 : i32 to index
        %swap3A_499 = arith.index_cast %scan3A_377 : i32 to index
        %swap3A_500 = arith.constant 112 : index
        %swap3A_501 = tpu.vector_load %arg6[%swap3A_498, %swap3A_499, %swap3A_500] {strides = array<i32>} : memref<5x128x128xf32, #tpu.memory_space<vmem>>, vector<1x1x16xf32>,
        %swap3A_502 = vector.shape_cast %swap3A_501 : vector<1x1x16xf32> to vector<16xf32>
        %swap3A_503 = vector.shape_cast %mul3A_496 : vector<16xf32> to vector<1x1x16xf32>
        tpu.vector_store %arg6[%swap3A_498, %swap3A_499, %swap3A_500], %swap3A_503 {strides = array<i32>} : memref<5x128x128xf32, #tpu.memory_space<vmem>>, vector<1x1x16xf32>,
      }
      %scan3A_310 = arith.constant 128 : i32
      %mul3A_311 = arith.constant 128 : i32
      %mul3A_312 = arith.muli %add3A_284, %mul3A_311 : i32
      %add3A_313 = arith.addi %mul3A_4, %mul3A_312 : i32
      %dma_start3A_314 = arith.constant 3 : i32
      %dma_start3A_315 = arith.constant 3 : i32
      %dma_start3A_316 = arith.constant 0 : i32
      %dma_start3A_317 = arith.constant 0 : i32
      %dma_start3A_318 = tpu.memref_slice %arg6[%dma_start3A_314, %dma_start3A_316, %dma_start3A_317] : memref<5x128x128xf32, #tpu.memory_space<vmem>> -> memref<1x128x128xf32, #tpu.memory_space<vmem>>
      %dma_start3A_319 = tpu.memref_squeeze %dma_start3A_318 : memref<1x128x128xf32, #tpu.memory_space<vmem>> -> memref<128x128xf32, #tpu.memory_space<vmem>>
      %dma_start3A_320 = arith.constant 0 : i32
      %dma_start3A_321 = tpu.memref_slice %arg4[%add3A_313, %dma_start3A_320] : memref<204800x128xf32, #tpu.memory_space<hbm>> -> memref<128x128xf32, #tpu.memory_space<hbm>>
      %dma_start3A_322 = tpu.memref_slice %arg8[%dma_start3A_315] : memref<5x!tpu.dma_semaphore, #tpu.memory_space<semaphore_mem>> -> memref<1x!tpu.dma_semaphore, #tpu.memory_space<semaphore_mem>>
      %dma_start3A_323 = tpu.memref_squeeze %dma_start3A_322 : memref<1x!tpu.dma_semaphore, #tpu.memory_space<semaphore_mem>> -> memref<!tpu.dma_semaphore, #tpu.memory_space<semaphore_mem>>
      %dma_start3A_324 = arith.constant 0 : i32
      %dma_start3A_325 = tpu.memref_slice %arg4[%add3A_313, %dma_start3A_324] : memref<204800x128xf32, #tpu.memory_space<hbm>> -> memref<128x128xf32, #tpu.memory_space<hbm>>
      %dma_start3A_326 = arith.constant 0 : i32
      %dma_start3A_327 = arith.constant 0 : i32
      %dma_start3A_328 = tpu.memref_slice %arg6[%dma_start3A_314, %dma_start3A_326, %dma_start3A_327] : memref<5x128x128xf32, #tpu.memory_space<vmem>> -> memref<1x128x128xf32, #tpu.memory_space<vmem>>
      %dma_start3A_329 = tpu.memref_squeeze %dma_start3A_328 : memref<1x128x128xf32, #tpu.memory_space<vmem>> -> memref<128x128xf32, #tpu.memory_space<vmem>>
      tpu.enqueue_dma source(%dma_start3A_329 : memref<128x128xf32, #tpu.memory_space<vmem>>) target(%dma_start3A_325 : memref<128x128xf32, #tpu.memory_space<hbm>>) target_semaphore(%dma_start3A_323 : memref<!tpu.dma_semaphore, #tpu.memory_space<semaphore_mem>>)
      %add3A_330 = arith.constant 4 : i32
      %add3A_331 = arith.addi %mul3A_144, %add3A_330 : i32
      %add3A_332 = arith.constant 3 : i32
      %add3A_333 = arith.addi %add3A_331, %add3A_332 : i32
      %lt3A_334 = arith.constant 50 : i32
      %lt3A_335 = arith.cmpi slt, %add3A_333, %lt3A_334 : i32
      %convert_element_type3A_336 = arith.extui %lt3A_335 : i1 to i32
      %cond3A_337 = arith.constant 0 : i32
      %cond3A_338 = arith.cmpi ne, %convert_element_type3A_336, %cond3A_337 : i32
      scf.if %cond3A_338 {
        %ge3A = arith.constant 5 : i32
        %ge3A_377 = arith.cmpi sge, %add3A_333, %ge3A : i32
        %convert_element_type3A_378 = arith.extui %ge3A_377 : i1 to i32
        %cond3A_379 = arith.constant 0 : i32
        %cond3A_380 = arith.cmpi ne, %convert_element_type3A_378, %cond3A_379 : i32
        scf.if %cond3A_380 {
          %sub3A = arith.constant 5 : i32
          %sub3A_395 = arith.subi %add3A_333, %sub3A : i32
          %mul3A_396 = arith.constant 128 : i32
          %mul3A_397 = arith.muli %sub3A_395, %mul3A_396 : i32
          %add3A_398 = arith.addi %mul3A_4, %mul3A_397 : i32
          %dma_wait3A_399 = arith.constant 2 : i32
          %dma_wait3A_400 = arith.constant 2 : i32
          %dma_wait3A_401 = arith.constant 0 : i32
          %dma_wait3A_402 = arith.constant 0 : i32
          %dma_wait3A_403 = tpu.memref_slice %arg6[%dma_wait3A_399, %dma_wait3A_401, %dma_wait3A_402] : memref<5x128x128xf32, #tpu.memory_space<vmem>> -> memref<1x128x128xf32, #tpu.memory_space<vmem>>
          %dma_wait3A_404 = tpu.memref_squeeze %dma_wait3A_403 : memref<1x128x128xf32, #tpu.memory_space<vmem>> -> memref<128x128xf32, #tpu.memory_space<vmem>>
          %dma_wait3A_405 = arith.constant 0 : i32
          %dma_wait3A_406 = tpu.memref_slice %arg4[%add3A_398, %dma_wait3A_405] : memref<204800x128xf32, #tpu.memory_space<hbm>> -> memref<128x128xf32, #tpu.memory_space<hbm>>
          %dma_wait3A_407 = tpu.memref_slice %arg8[%dma_wait3A_400] : memref<5x!tpu.dma_semaphore, #tpu.memory_space<semaphore_mem>> -> memref<1x!tpu.dma_semaphore, #tpu.memory_space<semaphore_mem>>
          %dma_wait3A_408 = tpu.memref_squeeze %dma_wait3A_407 : memref<1x!tpu.dma_semaphore, #tpu.memory_space<semaphore_mem>> -> memref<!tpu.dma_semaphore, #tpu.memory_space<semaphore_mem>>
          %dma_wait3A_409 = arith.constant 0 : i32
          %dma_wait3A_410 = tpu.memref_slice %arg4[%add3A_398, %dma_wait3A_409] : memref<204800x128xf32, #tpu.memory_space<hbm>> -> memref<128x128xf32, #tpu.memory_space<hbm>>
          %dma_wait3A_411 = arith.constant 0 : i32
          %dma_wait3A_412 = arith.constant 0 : i32
          %dma_wait3A_413 = tpu.memref_slice %arg6[%dma_wait3A_399, %dma_wait3A_411, %dma_wait3A_412] : memref<5x128x128xf32, #tpu.memory_space<vmem>> -> memref<1x128x128xf32, #tpu.memory_space<vmem>>
          %dma_wait3A_414 = tpu.memref_squeeze %dma_wait3A_413 : memref<1x128x128xf32, #tpu.memory_space<vmem>> -> memref<128x128xf32, #tpu.memory_space<vmem>>
          tpu.wait_dma2 semaphore(%dma_wait3A_408 : memref<!tpu.dma_semaphore, #tpu.memory_space<semaphore_mem>>) src(%dma_wait3A_414 : memref<128x128xf32, #tpu.memory_space<vmem>>) dst(%dma_wait3A_410 : memref<128x128xf32, #tpu.memory_space<hbm>>)
        } else {
        }
        %dma_start3A_381 = arith.constant 2 : i32
        %dma_start3A_382 = arith.constant 2 : i32
        %dma_start3A_383 = arith.constant 0 : i32
        %dma_start3A_384 = arith.constant 0 : i32
        %dma_start3A_385 = tpu.memref_slice %arg6[%dma_start3A_381, %dma_start3A_383, %dma_start3A_384] : memref<5x128x128xf32, #tpu.memory_space<vmem>> -> memref<1x128x128xf32, #tpu.memory_space<vmem>>
        %dma_start3A_386 = tpu.memref_squeeze %dma_start3A_385 : memref<1x128x128xf32, #tpu.memory_space<vmem>> -> memref<128x128xf32, #tpu.memory_space<vmem>>
        %dma_start3A_387 = arith.constant 0 : i32
        %dma_start3A_388 = tpu.memref_slice %arg5[%add3A_333, %dma_start3A_387] : memref<50x128xi32, #tpu.memory_space<vmem>> -> memref<1x128xi32, #tpu.memory_space<vmem>>
        %dma_start3A_389 = tpu.memref_squeeze %dma_start3A_388 : memref<1x128xi32, #tpu.memory_space<vmem>> -> memref<128xi32, #tpu.memory_space<vmem>>
        %dma_start3A_390 = arith.constant 0 : i32
        %dma_start3A_391 = arith.constant 0 : i32
        %dma_start3A_392 = tpu.memref_slice %arg3[%dma_start3A_390, %dma_start3A_391] : memref<100000x128xf32, #tpu.memory_space<hbm>> -> memref<100000x128xf32, #tpu.memory_space<hbm>>
        %dma_start3A_393 = tpu.memref_slice %arg7[%dma_start3A_382] : memref<5x!tpu.dma_semaphore, #tpu.memory_space<semaphore_mem>> -> memref<1x!tpu.dma_semaphore, #tpu.memory_space<semaphore_mem>>
        %dma_start3A_394 = tpu.memref_squeeze %dma_start3A_393 : memref<1x!tpu.dma_semaphore, #tpu.memory_space<semaphore_mem>> -> memref<!tpu.dma_semaphore, #tpu.memory_space<semaphore_mem>>
        tpu.enqueue_indirect_dma source(%dma_start3A_392 : memref<100000x128xf32, #tpu.memory_space<hbm>>) target(%dma_start3A_386 : memref<128x128xf32, #tpu.memory_space<vmem>>) offsets(%dma_start3A_389 : memref<128xi32, #tpu.memory_space<vmem>>) semaphore(%dma_start3A_394 : memref<!tpu.dma_semaphore, #tpu.memory_space<semaphore_mem>>)
      } else {
      }
      %dma_wait3A_339 = arith.constant 4 : i32
      %dma_wait3A_340 = arith.constant 4 : i32
      %dma_wait3A_341 = arith.constant 0 : i32
      %dma_wait3A_342 = arith.constant 0 : i32
      %dma_wait3A_343 = tpu.memref_slice %arg6[%dma_wait3A_339, %dma_wait3A_341, %dma_wait3A_342] : memref<5x128x128xf32, #tpu.memory_space<vmem>> -> memref<1x128x128xf32, #tpu.memory_space<vmem>>
      %dma_wait3A_344 = tpu.memref_squeeze %dma_wait3A_343 : memref<1x128x128xf32, #tpu.memory_space<vmem>> -> memref<128x128xf32, #tpu.memory_space<vmem>>
      %dma_wait3A_345 = arith.constant 0 : i32
      %dma_wait3A_346 = tpu.memref_slice %arg5[%add3A_331, %dma_wait3A_345] : memref<50x128xi32, #tpu.memory_space<vmem>> -> memref<1x128xi32, #tpu.memory_space<vmem>>
      %dma_wait3A_347 = tpu.memref_squeeze %dma_wait3A_346 : memref<1x128xi32, #tpu.memory_space<vmem>> -> memref<128xi32, #tpu.memory_space<vmem>>
      %dma_wait3A_348 = arith.constant 0 : i32
      %dma_wait3A_349 = arith.constant 0 : i32
      %dma_wait3A_350 = tpu.memref_slice %arg3[%dma_wait3A_348, %dma_wait3A_349] : memref<100000x128xf32, #tpu.memory_space<hbm>> -> memref<100000x128xf32, #tpu.memory_space<hbm>>
      %dma_wait3A_351 = tpu.memref_slice %arg7[%dma_wait3A_340] : memref<5x!tpu.dma_semaphore, #tpu.memory_space<semaphore_mem>> -> memref<1x!tpu.dma_semaphore, #tpu.memory_space<semaphore_mem>>
      %dma_wait3A_352 = tpu.memref_squeeze %dma_wait3A_351 : memref<1x!tpu.dma_semaphore, #tpu.memory_space<semaphore_mem>> -> memref<!tpu.dma_semaphore, #tpu.memory_space<semaphore_mem>>
      tpu.wait_indirect_dma semaphore(%dma_wait3A_352 : memref<!tpu.dma_semaphore, #tpu.memory_space<semaphore_mem>>) src(%dma_wait3A_350 : memref<100000x128xf32, #tpu.memory_space<hbm>>) dst(%dma_wait3A_344 : memref<128x128xf32, #tpu.memory_space<vmem>>)
      %scan3A_353 = arith.constant 0 : i32
      %scan3A_354 = arith.constant 128 : i32
      %scan3A_355 = arith.addi %scan3A_353, %scan3A_354 : i32
      %scan3A_356 = arith.constant 1 : i32
      scf.for %scan3A_377 = %scan3A_353 to %scan3A_355 step %scan3A_356  : i32 {
        %get3A = arith.constant 4 : i32
        %get3A_378 = arith.index_cast %get3A : i32 to index
        %get3A_379 = arith.index_cast %scan3A_377 : i32 to index
        %get3A_380 = arith.constant 0 : index
        %get3A_381 = tpu.vector_load %arg6[%get3A_378, %get3A_379, %get3A_380] {strides = array<i32>} : memref<5x128x128xf32, #tpu.memory_space<vmem>>, vector<1x1x16xf32>,
        %get3A_382 = vector.shape_cast %get3A_381 : vector<1x1x16xf32> to vector<16xf32>
        %mul3A_383 = arith.constant 11.3137083 : f32
        %mul3A_384 = vector.broadcast %mul3A_383 : f32 to vector<16xf32>
        %mul3A_385 = arith.mulf %get3A_382, %mul3A_384 : vector<16xf32>
        %swap3A = arith.constant 4 : i32
        %swap3A_386 = arith.index_cast %swap3A : i32 to index
        %swap3A_387 = arith.index_cast %scan3A_377 : i32 to index
        %swap3A_388 = arith.constant 0 : index
        %swap3A_389 = tpu.vector_load %arg6[%swap3A_386, %swap3A_387, %swap3A_388] {strides = array<i32>} : memref<5x128x128xf32, #tpu.memory_space<vmem>>, vector<1x1x16xf32>,
        %swap3A_390 = vector.shape_cast %swap3A_389 : vector<1x1x16xf32> to vector<16xf32>
        %swap3A_391 = vector.shape_cast %mul3A_385 : vector<16xf32> to vector<1x1x16xf32>
        tpu.vector_store %arg6[%swap3A_386, %swap3A_387, %swap3A_388], %swap3A_391 {strides = array<i32>} : memref<5x128x128xf32, #tpu.memory_space<vmem>>, vector<1x1x16xf32>,
        %get3A_392 = arith.constant 4 : i32
        %get3A_393 = arith.index_cast %get3A_392 : i32 to index
        %get3A_394 = arith.index_cast %scan3A_377 : i32 to index
        %get3A_395 = arith.constant 16 : index
        %get3A_396 = tpu.vector_load %arg6[%get3A_393, %get3A_394, %get3A_395] {strides = array<i32>} : memref<5x128x128xf32, #tpu.memory_space<vmem>>, vector<1x1x16xf32>,
        %get3A_397 = vector.shape_cast %get3A_396 : vector<1x1x16xf32> to vector<16xf32>
        %mul3A_398 = arith.constant 11.3137083 : f32
        %mul3A_399 = vector.broadcast %mul3A_398 : f32 to vector<16xf32>
        %mul3A_400 = arith.mulf %get3A_397, %mul3A_399 : vector<16xf32>
        %swap3A_401 = arith.constant 4 : i32
        %swap3A_402 = arith.index_cast %swap3A_401 : i32 to index
        %swap3A_403 = arith.index_cast %scan3A_377 : i32 to index
        %swap3A_404 = arith.constant 16 : index
        %swap3A_405 = tpu.vector_load %arg6[%swap3A_402, %swap3A_403, %swap3A_404] {strides = array<i32>} : memref<5x128x128xf32, #tpu.memory_space<vmem>>, vector<1x1x16xf32>,
        %swap3A_406 = vector.shape_cast %swap3A_405 : vector<1x1x16xf32> to vector<16xf32>
        %swap3A_407 = vector.shape_cast %mul3A_400 : vector<16xf32> to vector<1x1x16xf32>
        tpu.vector_store %arg6[%swap3A_402, %swap3A_403, %swap3A_404], %swap3A_407 {strides = array<i32>} : memref<5x128x128xf32, #tpu.memory_space<vmem>>, vector<1x1x16xf32>,
        %get3A_408 = arith.constant 4 : i32
        %get3A_409 = arith.index_cast %get3A_408 : i32 to index
        %get3A_410 = arith.index_cast %scan3A_377 : i32 to index
        %get3A_411 = arith.constant 32 : index
        %get3A_412 = tpu.vector_load %arg6[%get3A_409, %get3A_410, %get3A_411] {strides = array<i32>} : memref<5x128x128xf32, #tpu.memory_space<vmem>>, vector<1x1x16xf32>,
        %get3A_413 = vector.shape_cast %get3A_412 : vector<1x1x16xf32> to vector<16xf32>
        %mul3A_414 = arith.constant 11.3137083 : f32
        %mul3A_415 = vector.broadcast %mul3A_414 : f32 to vector<16xf32>
        %mul3A_416 = arith.mulf %get3A_413, %mul3A_415 : vector<16xf32>
        %swap3A_417 = arith.constant 4 : i32
        %swap3A_418 = arith.index_cast %swap3A_417 : i32 to index
        %swap3A_419 = arith.index_cast %scan3A_377 : i32 to index
        %swap3A_420 = arith.constant 32 : index
        %swap3A_421 = tpu.vector_load %arg6[%swap3A_418, %swap3A_419, %swap3A_420] {strides = array<i32>} : memref<5x128x128xf32, #tpu.memory_space<vmem>>, vector<1x1x16xf32>,
        %swap3A_422 = vector.shape_cast %swap3A_421 : vector<1x1x16xf32> to vector<16xf32>
        %swap3A_423 = vector.shape_cast %mul3A_416 : vector<16xf32> to vector<1x1x16xf32>
        tpu.vector_store %arg6[%swap3A_418, %swap3A_419, %swap3A_420], %swap3A_423 {strides = array<i32>} : memref<5x128x128xf32, #tpu.memory_space<vmem>>, vector<1x1x16xf32>,
        %get3A_424 = arith.constant 4 : i32
        %get3A_425 = arith.index_cast %get3A_424 : i32 to index
        %get3A_426 = arith.index_cast %scan3A_377 : i32 to index
        %get3A_427 = arith.constant 48 : index
        %get3A_428 = tpu.vector_load %arg6[%get3A_425, %get3A_426, %get3A_427] {strides = array<i32>} : memref<5x128x128xf32, #tpu.memory_space<vmem>>, vector<1x1x16xf32>,
        %get3A_429 = vector.shape_cast %get3A_428 : vector<1x1x16xf32> to vector<16xf32>
        %mul3A_430 = arith.constant 11.3137083 : f32
        %mul3A_431 = vector.broadcast %mul3A_430 : f32 to vector<16xf32>
        %mul3A_432 = arith.mulf %get3A_429, %mul3A_431 : vector<16xf32>
        %swap3A_433 = arith.constant 4 : i32
        %swap3A_434 = arith.index_cast %swap3A_433 : i32 to index
        %swap3A_435 = arith.index_cast %scan3A_377 : i32 to index
        %swap3A_436 = arith.constant 48 : index
        %swap3A_437 = tpu.vector_load %arg6[%swap3A_434, %swap3A_435, %swap3A_436] {strides = array<i32>} : memref<5x128x128xf32, #tpu.memory_space<vmem>>, vector<1x1x16xf32>,
        %swap3A_438 = vector.shape_cast %swap3A_437 : vector<1x1x16xf32> to vector<16xf32>
        %swap3A_439 = vector.shape_cast %mul3A_432 : vector<16xf32> to vector<1x1x16xf32>
        tpu.vector_store %arg6[%swap3A_434, %swap3A_435, %swap3A_436], %swap3A_439 {strides = array<i32>} : memref<5x128x128xf32, #tpu.memory_space<vmem>>, vector<1x1x16xf32>,
        %get3A_440 = arith.constant 4 : i32
        %get3A_441 = arith.index_cast %get3A_440 : i32 to index
        %get3A_442 = arith.index_cast %scan3A_377 : i32 to index
        %get3A_443 = arith.constant 64 : index
        %get3A_444 = tpu.vector_load %arg6[%get3A_441, %get3A_442, %get3A_443] {strides = array<i32>} : memref<5x128x128xf32, #tpu.memory_space<vmem>>, vector<1x1x16xf32>,
        %get3A_445 = vector.shape_cast %get3A_444 : vector<1x1x16xf32> to vector<16xf32>
        %mul3A_446 = arith.constant 11.3137083 : f32
        %mul3A_447 = vector.broadcast %mul3A_446 : f32 to vector<16xf32>
        %mul3A_448 = arith.mulf %get3A_445, %mul3A_447 : vector<16xf32>
        %swap3A_449 = arith.constant 4 : i32
        %swap3A_450 = arith.index_cast %swap3A_449 : i32 to index
        %swap3A_451 = arith.index_cast %scan3A_377 : i32 to index
        %swap3A_452 = arith.constant 64 : index
        %swap3A_453 = tpu.vector_load %arg6[%swap3A_450, %swap3A_451, %swap3A_452] {strides = array<i32>} : memref<5x128x128xf32, #tpu.memory_space<vmem>>, vector<1x1x16xf32>,
        %swap3A_454 = vector.shape_cast %swap3A_453 : vector<1x1x16xf32> to vector<16xf32>
        %swap3A_455 = vector.shape_cast %mul3A_448 : vector<16xf32> to vector<1x1x16xf32>
        tpu.vector_store %arg6[%swap3A_450, %swap3A_451, %swap3A_452], %swap3A_455 {strides = array<i32>} : memref<5x128x128xf32, #tpu.memory_space<vmem>>, vector<1x1x16xf32>,
        %get3A_456 = arith.constant 4 : i32
        %get3A_457 = arith.index_cast %get3A_456 : i32 to index
        %get3A_458 = arith.index_cast %scan3A_377 : i32 to index
        %get3A_459 = arith.constant 80 : index
        %get3A_460 = tpu.vector_load %arg6[%get3A_457, %get3A_458, %get3A_459] {strides = array<i32>} : memref<5x128x128xf32, #tpu.memory_space<vmem>>, vector<1x1x16xf32>,
        %get3A_461 = vector.shape_cast %get3A_460 : vector<1x1x16xf32> to vector<16xf32>
        %mul3A_462 = arith.constant 11.3137083 : f32
        %mul3A_463 = vector.broadcast %mul3A_462 : f32 to vector<16xf32>
        %mul3A_464 = arith.mulf %get3A_461, %mul3A_463 : vector<16xf32>
        %swap3A_465 = arith.constant 4 : i32
        %swap3A_466 = arith.index_cast %swap3A_465 : i32 to index
        %swap3A_467 = arith.index_cast %scan3A_377 : i32 to index
        %swap3A_468 = arith.constant 80 : index
        %swap3A_469 = tpu.vector_load %arg6[%swap3A_466, %swap3A_467, %swap3A_468] {strides = array<i32>} : memref<5x128x128xf32, #tpu.memory_space<vmem>>, vector<1x1x16xf32>,
        %swap3A_470 = vector.shape_cast %swap3A_469 : vector<1x1x16xf32> to vector<16xf32>
        %swap3A_471 = vector.shape_cast %mul3A_464 : vector<16xf32> to vector<1x1x16xf32>
        tpu.vector_store %arg6[%swap3A_466, %swap3A_467, %swap3A_468], %swap3A_471 {strides = array<i32>} : memref<5x128x128xf32, #tpu.memory_space<vmem>>, vector<1x1x16xf32>,
        %get3A_472 = arith.constant 4 : i32
        %get3A_473 = arith.index_cast %get3A_472 : i32 to index
        %get3A_474 = arith.index_cast %scan3A_377 : i32 to index
        %get3A_475 = arith.constant 96 : index
        %get3A_476 = tpu.vector_load %arg6[%get3A_473, %get3A_474, %get3A_475] {strides = array<i32>} : memref<5x128x128xf32, #tpu.memory_space<vmem>>, vector<1x1x16xf32>,
        %get3A_477 = vector.shape_cast %get3A_476 : vector<1x1x16xf32> to vector<16xf32>
        %mul3A_478 = arith.constant 11.3137083 : f32
        %mul3A_479 = vector.broadcast %mul3A_478 : f32 to vector<16xf32>
        %mul3A_480 = arith.mulf %get3A_477, %mul3A_479 : vector<16xf32>
        %swap3A_481 = arith.constant 4 : i32
        %swap3A_482 = arith.index_cast %swap3A_481 : i32 to index
        %swap3A_483 = arith.index_cast %scan3A_377 : i32 to index
        %swap3A_484 = arith.constant 96 : index
        %swap3A_485 = tpu.vector_load %arg6[%swap3A_482, %swap3A_483, %swap3A_484] {strides = array<i32>} : memref<5x128x128xf32, #tpu.memory_space<vmem>>, vector<1x1x16xf32>,
        %swap3A_486 = vector.shape_cast %swap3A_485 : vector<1x1x16xf32> to vector<16xf32>
        %swap3A_487 = vector.shape_cast %mul3A_480 : vector<16xf32> to vector<1x1x16xf32>
        tpu.vector_store %arg6[%swap3A_482, %swap3A_483, %swap3A_484], %swap3A_487 {strides = array<i32>} : memref<5x128x128xf32, #tpu.memory_space<vmem>>, vector<1x1x16xf32>,
        %get3A_488 = arith.constant 4 : i32
        %get3A_489 = arith.index_cast %get3A_488 : i32 to index
        %get3A_490 = arith.index_cast %scan3A_377 : i32 to index
        %get3A_491 = arith.constant 112 : index
        %get3A_492 = tpu.vector_load %arg6[%get3A_489, %get3A_490, %get3A_491] {strides = array<i32>} : memref<5x128x128xf32, #tpu.memory_space<vmem>>, vector<1x1x16xf32>,
        %get3A_493 = vector.shape_cast %get3A_492 : vector<1x1x16xf32> to vector<16xf32>
        %mul3A_494 = arith.constant 11.3137083 : f32
        %mul3A_495 = vector.broadcast %mul3A_494 : f32 to vector<16xf32>
        %mul3A_496 = arith.mulf %get3A_493, %mul3A_495 : vector<16xf32>
        %swap3A_497 = arith.constant 4 : i32
        %swap3A_498 = arith.index_cast %swap3A_497 : i32 to index
        %swap3A_499 = arith.index_cast %scan3A_377 : i32 to index
        %swap3A_500 = arith.constant 112 : index
        %swap3A_501 = tpu.vector_load %arg6[%swap3A_498, %swap3A_499, %swap3A_500] {strides = array<i32>} : memref<5x128x128xf32, #tpu.memory_space<vmem>>, vector<1x1x16xf32>,
        %swap3A_502 = vector.shape_cast %swap3A_501 : vector<1x1x16xf32> to vector<16xf32>
        %swap3A_503 = vector.shape_cast %mul3A_496 : vector<16xf32> to vector<1x1x16xf32>
        tpu.vector_store %arg6[%swap3A_498, %swap3A_499, %swap3A_500], %swap3A_503 {strides = array<i32>} : memref<5x128x128xf32, #tpu.memory_space<vmem>>, vector<1x1x16xf32>,
      }
      %scan3A_357 = arith.constant 128 : i32
      %mul3A_358 = arith.constant 128 : i32
      %mul3A_359 = arith.muli %add3A_331, %mul3A_358 : i32
      %add3A_360 = arith.addi %mul3A_4, %mul3A_359 : i32
      %dma_start3A_361 = arith.constant 4 : i32
      %dma_start3A_362 = arith.constant 4 : i32
      %dma_start3A_363 = arith.constant 0 : i32
      %dma_start3A_364 = arith.constant 0 : i32
      %dma_start3A_365 = tpu.memref_slice %arg6[%dma_start3A_361, %dma_start3A_363, %dma_start3A_364] : memref<5x128x128xf32, #tpu.memory_space<vmem>> -> memref<1x128x128xf32, #tpu.memory_space<vmem>>
      %dma_start3A_366 = tpu.memref_squeeze %dma_start3A_365 : memref<1x128x128xf32, #tpu.memory_space<vmem>> -> memref<128x128xf32, #tpu.memory_space<vmem>>
      %dma_start3A_367 = arith.constant 0 : i32
      %dma_start3A_368 = tpu.memref_slice %arg4[%add3A_360, %dma_start3A_367] : memref<204800x128xf32, #tpu.memory_space<hbm>> -> memref<128x128xf32, #tpu.memory_space<hbm>>
      %dma_start3A_369 = tpu.memref_slice %arg8[%dma_start3A_362] : memref<5x!tpu.dma_semaphore, #tpu.memory_space<semaphore_mem>> -> memref<1x!tpu.dma_semaphore, #tpu.memory_space<semaphore_mem>>
      %dma_start3A_370 = tpu.memref_squeeze %dma_start3A_369 : memref<1x!tpu.dma_semaphore, #tpu.memory_space<semaphore_mem>> -> memref<!tpu.dma_semaphore, #tpu.memory_space<semaphore_mem>>
      %dma_start3A_371 = arith.constant 0 : i32
      %dma_start3A_372 = tpu.memref_slice %arg4[%add3A_360, %dma_start3A_371] : memref<204800x128xf32, #tpu.memory_space<hbm>> -> memref<128x128xf32, #tpu.memory_space<hbm>>
      %dma_start3A_373 = arith.constant 0 : i32
      %dma_start3A_374 = arith.constant 0 : i32
      %dma_start3A_375 = tpu.memref_slice %arg6[%dma_start3A_361, %dma_start3A_373, %dma_start3A_374] : memref<5x128x128xf32, #tpu.memory_space<vmem>> -> memref<1x128x128xf32, #tpu.memory_space<vmem>>
      %dma_start3A_376 = tpu.memref_squeeze %dma_start3A_375 : memref<1x128x128xf32, #tpu.memory_space<vmem>> -> memref<128x128xf32, #tpu.memory_space<vmem>>
      tpu.enqueue_dma source(%dma_start3A_376 : memref<128x128xf32, #tpu.memory_space<vmem>>) target(%dma_start3A_372 : memref<128x128xf32, #tpu.memory_space<hbm>>) target_semaphore(%dma_start3A_370 : memref<!tpu.dma_semaphore, #tpu.memory_space<semaphore_mem>>)
    }
    %scan3A_52 = arith.constant 10 : i32
    %add3A_53 = arith.constant 5760 : i32
    %add3A_54 = arith.addi %mul3A_4, %add3A_53 : i32
    %dma_wait3A = arith.constant 0 : i32
    %dma_wait3A_55 = arith.constant 0 : i32
    %dma_wait3A_56 = arith.constant 0 : i32
    %dma_wait3A_57 = arith.constant 0 : i32
    %dma_wait3A_58 = tpu.memref_slice %arg6[%dma_wait3A, %dma_wait3A_56, %dma_wait3A_57] : memref<5x128x128xf32, #tpu.memory_space<vmem>> -> memref<1x128x128xf32, #tpu.memory_space<vmem>>
    %dma_wait3A_59 = tpu.memref_squeeze %dma_wait3A_58 : memref<1x128x128xf32, #tpu.memory_space<vmem>> -> memref<128x128xf32, #tpu.memory_space<vmem>>
    %dma_wait3A_60 = arith.constant 0 : i32
    %dma_wait3A_61 = tpu.memref_slice %arg4[%add3A_54, %dma_wait3A_60] : memref<204800x128xf32, #tpu.memory_space<hbm>> -> memref<128x128xf32, #tpu.memory_space<hbm>>
    %dma_wait3A_62 = tpu.memref_slice %arg8[%dma_wait3A_55] : memref<5x!tpu.dma_semaphore, #tpu.memory_space<semaphore_mem>> -> memref<1x!tpu.dma_semaphore, #tpu.memory_space<semaphore_mem>>
    %dma_wait3A_63 = tpu.memref_squeeze %dma_wait3A_62 : memref<1x!tpu.dma_semaphore, #tpu.memory_space<semaphore_mem>> -> memref<!tpu.dma_semaphore, #tpu.memory_space<semaphore_mem>>
    %dma_wait3A_64 = arith.constant 0 : i32
    %dma_wait3A_65 = tpu.memref_slice %arg4[%add3A_54, %dma_wait3A_64] : memref<204800x128xf32, #tpu.memory_space<hbm>> -> memref<128x128xf32, #tpu.memory_space<hbm>>
    %dma_wait3A_66 = arith.constant 0 : i32
    %dma_wait3A_67 = arith.constant 0 : i32
    %dma_wait3A_68 = tpu.memref_slice %arg6[%dma_wait3A, %dma_wait3A_66, %dma_wait3A_67] : memref<5x128x128xf32, #tpu.memory_space<vmem>> -> memref<1x128x128xf32, #tpu.memory_space<vmem>>
    %dma_wait3A_69 = tpu.memref_squeeze %dma_wait3A_68 : memref<1x128x128xf32, #tpu.memory_space<vmem>> -> memref<128x128xf32, #tpu.memory_space<vmem>>
    tpu.wait_dma2 semaphore(%dma_wait3A_63 : memref<!tpu.dma_semaphore, #tpu.memory_space<semaphore_mem>>) src(%dma_wait3A_69 : memref<128x128xf32, #tpu.memory_space<vmem>>) dst(%dma_wait3A_65 : memref<128x128xf32, #tpu.memory_space<hbm>>)
    %add3A_70 = arith.constant 5888 : i32
    %add3A_71 = arith.addi %mul3A_4, %add3A_70 : i32
    %dma_wait3A_72 = arith.constant 1 : i32
    %dma_wait3A_73 = arith.constant 1 : i32
    %dma_wait3A_74 = arith.constant 0 : i32
    %dma_wait3A_75 = arith.constant 0 : i32
    %dma_wait3A_76 = tpu.memref_slice %arg6[%dma_wait3A_72, %dma_wait3A_74, %dma_wait3A_75] : memref<5x128x128xf32, #tpu.memory_space<vmem>> -> memref<1x128x128xf32, #tpu.memory_space<vmem>>
    %dma_wait3A_77 = tpu.memref_squeeze %dma_wait3A_76 : memref<1x128x128xf32, #tpu.memory_space<vmem>> -> memref<128x128xf32, #tpu.memory_space<vmem>>
    %dma_wait3A_78 = arith.constant 0 : i32
    %dma_wait3A_79 = tpu.memref_slice %arg4[%add3A_71, %dma_wait3A_78] : memref<204800x128xf32, #tpu.memory_space<hbm>> -> memref<128x128xf32, #tpu.memory_space<hbm>>
    %dma_wait3A_80 = tpu.memref_slice %arg8[%dma_wait3A_73] : memref<5x!tpu.dma_semaphore, #tpu.memory_space<semaphore_mem>> -> memref<1x!tpu.dma_semaphore, #tpu.memory_space<semaphore_mem>>
    %dma_wait3A_81 = tpu.memref_squeeze %dma_wait3A_80 : memref<1x!tpu.dma_semaphore, #tpu.memory_space<semaphore_mem>> -> memref<!tpu.dma_semaphore, #tpu.memory_space<semaphore_mem>>
    %dma_wait3A_82 = arith.constant 0 : i32
    %dma_wait3A_83 = tpu.memref_slice %arg4[%add3A_71, %dma_wait3A_82] : memref<204800x128xf32, #tpu.memory_space<hbm>> -> memref<128x128xf32, #tpu.memory_space<hbm>>
    %dma_wait3A_84 = arith.constant 0 : i32
    %dma_wait3A_85 = arith.constant 0 : i32
    %dma_wait3A_86 = tpu.memref_slice %arg6[%dma_wait3A_72, %dma_wait3A_84, %dma_wait3A_85] : memref<5x128x128xf32, #tpu.memory_space<vmem>> -> memref<1x128x128xf32, #tpu.memory_space<vmem>>
    %dma_wait3A_87 = tpu.memref_squeeze %dma_wait3A_86 : memref<1x128x128xf32, #tpu.memory_space<vmem>> -> memref<128x128xf32, #tpu.memory_space<vmem>>
    tpu.wait_dma2 semaphore(%dma_wait3A_81 : memref<!tpu.dma_semaphore, #tpu.memory_space<semaphore_mem>>) src(%dma_wait3A_87 : memref<128x128xf32, #tpu.memory_space<vmem>>) dst(%dma_wait3A_83 : memref<128x128xf32, #tpu.memory_space<hbm>>)
    %add3A_88 = arith.constant 6016 : i32
    %add3A_89 = arith.addi %mul3A_4, %add3A_88 : i32
    %dma_wait3A_90 = arith.constant 2 : i32
    %dma_wait3A_91 = arith.constant 2 : i32
    %dma_wait3A_92 = arith.constant 0 : i32
    %dma_wait3A_93 = arith.constant 0 : i32
    %dma_wait3A_94 = tpu.memref_slice %arg6[%dma_wait3A_90, %dma_wait3A_92, %dma_wait3A_93] : memref<5x128x128xf32, #tpu.memory_space<vmem>> -> memref<1x128x128xf32, #tpu.memory_space<vmem>>
    %dma_wait3A_95 = tpu.memref_squeeze %dma_wait3A_94 : memref<1x128x128xf32, #tpu.memory_space<vmem>> -> memref<128x128xf32, #tpu.memory_space<vmem>>
    %dma_wait3A_96 = arith.constant 0 : i32
    %dma_wait3A_97 = tpu.memref_slice %arg4[%add3A_89, %dma_wait3A_96] : memref<204800x128xf32, #tpu.memory_space<hbm>> -> memref<128x128xf32, #tpu.memory_space<hbm>>
    %dma_wait3A_98 = tpu.memref_slice %arg8[%dma_wait3A_91] : memref<5x!tpu.dma_semaphore, #tpu.memory_space<semaphore_mem>> -> memref<1x!tpu.dma_semaphore, #tpu.memory_space<semaphore_mem>>
    %dma_wait3A_99 = tpu.memref_squeeze %dma_wait3A_98 : memref<1x!tpu.dma_semaphore, #tpu.memory_space<semaphore_mem>> -> memref<!tpu.dma_semaphore, #tpu.memory_space<semaphore_mem>>
    %dma_wait3A_100 = arith.constant 0 : i32
    %dma_wait3A_101 = tpu.memref_slice %arg4[%add3A_89, %dma_wait3A_100] : memref<204800x128xf32, #tpu.memory_space<hbm>> -> memref<128x128xf32, #tpu.memory_space<hbm>>
    %dma_wait3A_102 = arith.constant 0 : i32
    %dma_wait3A_103 = arith.constant 0 : i32
    %dma_wait3A_104 = tpu.memref_slice %arg6[%dma_wait3A_90, %dma_wait3A_102, %dma_wait3A_103] : memref<5x128x128xf32, #tpu.memory_space<vmem>> -> memref<1x128x128xf32, #tpu.memory_space<vmem>>
    %dma_wait3A_105 = tpu.memref_squeeze %dma_wait3A_104 : memref<1x128x128xf32, #tpu.memory_space<vmem>> -> memref<128x128xf32, #tpu.memory_space<vmem>>
    tpu.wait_dma2 semaphore(%dma_wait3A_99 : memref<!tpu.dma_semaphore, #tpu.memory_space<semaphore_mem>>) src(%dma_wait3A_105 : memref<128x128xf32, #tpu.memory_space<vmem>>) dst(%dma_wait3A_101 : memref<128x128xf32, #tpu.memory_space<hbm>>)
    %add3A_106 = arith.constant 6144 : i32
    %add3A_107 = arith.addi %mul3A_4, %add3A_106 : i32
    %dma_wait3A_108 = arith.constant 3 : i32
    %dma_wait3A_109 = arith.constant 3 : i32
    %dma_wait3A_110 = arith.constant 0 : i32
    %dma_wait3A_111 = arith.constant 0 : i32
    %dma_wait3A_112 = tpu.memref_slice %arg6[%dma_wait3A_108, %dma_wait3A_110, %dma_wait3A_111] : memref<5x128x128xf32, #tpu.memory_space<vmem>> -> memref<1x128x128xf32, #tpu.memory_space<vmem>>
    %dma_wait3A_113 = tpu.memref_squeeze %dma_wait3A_112 : memref<1x128x128xf32, #tpu.memory_space<vmem>> -> memref<128x128xf32, #tpu.memory_space<vmem>>
    %dma_wait3A_114 = arith.constant 0 : i32
    %dma_wait3A_115 = tpu.memref_slice %arg4[%add3A_107, %dma_wait3A_114] : memref<204800x128xf32, #tpu.memory_space<hbm>> -> memref<128x128xf32, #tpu.memory_space<hbm>>
    %dma_wait3A_116 = tpu.memref_slice %arg8[%dma_wait3A_109] : memref<5x!tpu.dma_semaphore, #tpu.memory_space<semaphore_mem>> -> memref<1x!tpu.dma_semaphore, #tpu.memory_space<semaphore_mem>>
    %dma_wait3A_117 = tpu.memref_squeeze %dma_wait3A_116 : memref<1x!tpu.dma_semaphore, #tpu.memory_space<semaphore_mem>> -> memref<!tpu.dma_semaphore, #tpu.memory_space<semaphore_mem>>
    %dma_wait3A_118 = arith.constant 0 : i32
    %dma_wait3A_119 = tpu.memref_slice %arg4[%add3A_107, %dma_wait3A_118] : memref<204800x128xf32, #tpu.memory_space<hbm>> -> memref<128x128xf32, #tpu.memory_space<hbm>>
    %dma_wait3A_120 = arith.constant 0 : i32
    %dma_wait3A_121 = arith.constant 0 : i32
    %dma_wait3A_122 = tpu.memref_slice %arg6[%dma_wait3A_108, %dma_wait3A_120, %dma_wait3A_121] : memref<5x128x128xf32, #tpu.memory_space<vmem>> -> memref<1x128x128xf32, #tpu.memory_space<vmem>>
    %dma_wait3A_123 = tpu.memref_squeeze %dma_wait3A_122 : memref<1x128x128xf32, #tpu.memory_space<vmem>> -> memref<128x128xf32, #tpu.memory_space<vmem>>
    tpu.wait_dma2 semaphore(%dma_wait3A_117 : memref<!tpu.dma_semaphore, #tpu.memory_space<semaphore_mem>>) src(%dma_wait3A_123 : memref<128x128xf32, #tpu.memory_space<vmem>>) dst(%dma_wait3A_119 : memref<128x128xf32, #tpu.memory_space<hbm>>)
    %add3A_124 = arith.constant 6272 : i32
    %add3A_125 = arith.addi %mul3A_4, %add3A_124 : i32
    %dma_wait3A_126 = arith.constant 4 : i32
    %dma_wait3A_127 = arith.constant 4 : i32
    %dma_wait3A_128 = arith.constant 0 : i32
    %dma_wait3A_129 = arith.constant 0 : i32
    %dma_wait3A_130 = tpu.memref_slice %arg6[%dma_wait3A_126, %dma_wait3A_128, %dma_wait3A_129] : memref<5x128x128xf32, #tpu.memory_space<vmem>> -> memref<1x128x128xf32, #tpu.memory_space<vmem>>
    %dma_wait3A_131 = tpu.memref_squeeze %dma_wait3A_130 : memref<1x128x128xf32, #tpu.memory_space<vmem>> -> memref<128x128xf32, #tpu.memory_space<vmem>>
    %dma_wait3A_132 = arith.constant 0 : i32
    %dma_wait3A_133 = tpu.memref_slice %arg4[%add3A_125, %dma_wait3A_132] : memref<204800x128xf32, #tpu.memory_space<hbm>> -> memref<128x128xf32, #tpu.memory_space<hbm>>
    %dma_wait3A_134 = tpu.memref_slice %arg8[%dma_wait3A_127] : memref<5x!tpu.dma_semaphore, #tpu.memory_space<semaphore_mem>> -> memref<1x!tpu.dma_semaphore, #tpu.memory_space<semaphore_mem>>
    %dma_wait3A_135 = tpu.memref_squeeze %dma_wait3A_134 : memref<1x!tpu.dma_semaphore, #tpu.memory_space<semaphore_mem>> -> memref<!tpu.dma_semaphore, #tpu.memory_space<semaphore_mem>>
    %dma_wait3A_136 = arith.constant 0 : i32
    %dma_wait3A_137 = tpu.memref_slice %arg4[%add3A_125, %dma_wait3A_136] : memref<204800x128xf32, #tpu.memory_space<hbm>> -> memref<128x128xf32, #tpu.memory_space<hbm>>
    %dma_wait3A_138 = arith.constant 0 : i32
    %dma_wait3A_139 = arith.constant 0 : i32
    %dma_wait3A_140 = tpu.memref_slice %arg6[%dma_wait3A_126, %dma_wait3A_138, %dma_wait3A_139] : memref<5x128x128xf32, #tpu.memory_space<vmem>> -> memref<1x128x128xf32, #tpu.memory_space<vmem>>
    %dma_wait3A_141 = tpu.memref_squeeze %dma_wait3A_140 : memref<1x128x128xf32, #tpu.memory_space<vmem>> -> memref<128x128xf32, #tpu.memory_space<vmem>>
    tpu.wait_dma2 semaphore(%dma_wait3A_135 : memref<!tpu.dma_semaphore, #tpu.memory_space<semaphore_mem>>) src(%dma_wait3A_141 : memref<128x128xf32, #tpu.memory_space<vmem>>) dst(%dma_wait3A_137 : memref<128x128xf32, #tpu.memory_space<hbm>>)
    return
  }
}

</mosaic_0001>

<sc_bundles>
// kernel: _gather_scaled.3.cloned.1.call-start
scs
__scs_entry_jumppad:
0x0: {  	(pc) =	sbr.rel $0x88, $3  }
0x1: {  	(tag) =	ssettag $0x0;
	lr =	simm.s32 $0x1  }
0x2: {  	[smem:$0x3F9F] =	sst lr;
	_ =	strace $0xD0000000  }
0x3: {  	_ = 	snop  }
0x4: {  	_ = 	snop  }
0x5: {  	_ = 	snop  }
0x6: {  	_ = 	snop  }
0x7: {  	_ = 	snop  }
__scs_overlays_trampoline_lowered:
0x8: {  	[smem:$0x3FAE] =	sst s0  }
0x9: {  	[smem:$0x3FAF] =	sst s1  }
0xa: {  	[smem:$0x3FB0] =	sst s2  }
0xb: {  	[smem:$0x3FB1] =	sst s3  }
0xc: {  	[smem:$0x3FB2] =	sst s4  }
0xd: {  	[smem:$0x3FB3] =	sst s5  }
0xe: {  	[smem:$0x3FB4] =	sst s6  }
0xf: {  	[smem:$0x3FB5] =	sst s7  }
0x10: {  	[smem:$0x3FB6] =	sst s8  }
0x11: {  	[smem:$0x3FB7] =	sst s9;
	s0 =	simm.s32 @!p0 $0x0  }
0x12: {  	s1 =	sld [smem:$0x3F9D];
	s0 =	simm.s32 @p0 $0x1  }
0x13: {  	[smem:$0x3FB8] =	sst s0;
	s0 =	simm.s32 @!p1 $0x0  }
0x14: {  	s2 =	sld [smem:$0x3F9C];
	s0 =	simm.s32 @p1 $0x1  }
0x15: {  	[smem:$0x3FB9] =	sst s0;
	s0 =	simm.s32 @!p2 $0x0  }
0x16: {  	s3 =	sld [smem:$0x3FDB];
	s0 =	simm.s32 @p2 $0x1  }
0x17: {  	s4 =	simm.s32 $0x1BF5;
	[smem:$0x3FBB] =	sst s0  }
0x18: {  	s0 =	sld [smem:$0x3F9E];
	_ =	swait.ge [sflag:s4], $0x0  }
0x19: {  	s7 =	sld [smem:$0x3F9F]  }
0x1a: {  	s8 =	sadd.s32 $0xFFFFE003, lr  }
0x1b: {  	s9 =	sadd.s32 $0xFFFFFEF7, lr;
	s5 =	simm.s32 $0xFFFFFFFF;
	p2 =	slt.u32 s8, $0xFFFFF086  }
0x1c: {  	p1 =	slt.u32 s9, $0xF7A;
	s5 =	simm.s32 @!p2 $0x0  }
0x1d: {  	s5 =	simm.s32 @p1 $0x1;
	p0 =	seq.s32 s7, s2  }
0x1e: {  	s7 =	smul.u32 @!p0 $0xF7A, s2;
	p2 =	seq.s32 @!p0 s5, $0x0  }
0x1f: {  	s9 =	smul.u32 $0xF7A, s1;
	s8 =	simm.s32 @!p0 $0x1BF5;
	p2 =	por !p2, p0  }
0x20: {  	[sflag:s8] =	ssyncset.s32 @!p0 $0xFFFFF086;
	s6 =	sadd.s32 @!p0 s3, s7;
	s7 =	simm.s32 @!p0 $0x108  }
0x21: {  	s3 =	sadd.s32 s3, s9;
	s6 =	sadd.s32 @!p0 $0x88, s6;
	s7 =	simm.s32 @p2 $0x1082  }
0x22: {  	[simem:s7], [sflag:s8] =	dma.local @!p0 [hbm:s6], $0xF7A  }
0x23: {  	s9 =	sor.u32 $0xD0000000, s2;
	s6 =	simm.s32 $0x108;
	_ =	swait.ge @!p0 [sflag:s8], $0x0  }
0x24: {  	s3 =	sadd.s32 $0x88, s3;
	s6 =	simm.s32 @!p1 $0x1082;
	[sflag:s4] =	ssyncset.s32 $0xFFFFF086  }
0x25: {  	[simem:s6], [sflag:s4] =	dma.local [hbm:s3], $0xF7A  }
0x26: {  	[smem:$0x3F9F] =	sst s1;
	(tag) =	ssettag s2;
	_ =	strace s9  }
0x27: {  	s1 =	sld [smem:$0x3FAF]  }
0x28: {  	s2 =	sld [smem:$0x3FB0]  }
0x29: {  	s4 =	sld [smem:$0x3FB2]  }
0x2a: {  	p0 =	seq.s32 s5, $0x0;
	s5 =	sld [smem:$0x3FB3]  }
0x2b: {  	s6 =	sld [smem:$0x3FB4]  }
0x2c: {  	s7 =	sld [smem:$0x3FB5]  }
0x2d: {  	s3 =	simm.s32 $0x108;
	s8 =	sld [smem:$0x3FB6]  }
0x2e: {  	s3 =	simm.s32 @!p0 $0x1082;
	s9 =	sld [smem:$0x3FB7]  }
0x2f: {  	lr =	sadd.s32 s0, s3;
	s0 =	sld [smem:$0x3FAE]  }
0x30: {  	s3 =	sld [smem:$0x3FB1]  }
0x31: {  	[smem:$0x3FBA] =	sst s10  }
0x32: {  	s10 =	sld [smem:$0x3FB8];
	_ =	sdelay $0x3  }
0x33: {  	p0 =	seq.s32 s10, $0x1;
	s10 =	sld [smem:$0x3FBA];
	_ =	sdelay $0x3  }
0x34: {  	[smem:$0x3FBA] =	sst s10  }
0x35: {  	s10 =	sld [smem:$0x3FB9];
	_ =	sdelay $0x3  }
0x36: {  	p1 =	seq.s32 s10, $0x1;
	s10 =	sld [smem:$0x3FBA];
	_ =	sdelay $0x3  }
0x37: {  	[smem:$0x3FBA] =	sst s10  }
0x38: {  	s10 =	sld [smem:$0x3FBB]  }
0x39: {  	_ = 	snop;
	(pc) =	sbr.ind lr, $3  }
0x3a: {  	_ = 	snop  }
0x3b: {  	_ = 	snop  }
0x3c: {  	p2 =	seq.s32 s10, $0x1;
	s10 =	sld [smem:$0x3FBA]  }
0x3d: {  	_ =	shalt  }
0x3e: {  	_ =	shalt  }
0x3f: {  	_ =	shalt  }
0x40: {  	_ =	shalt  }
0x41: {  	_ =	shalt  }
0x42: {  	_ =	shalt  }
0x43: {  	_ =	shalt  }
0x44: {  	_ =	shalt  }
0x45: {  	_ =	shalt  }
0x46: {  	_ =	shalt  }
0x47: {  	_ =	shalt  }
0x48: {  	_ =	shalt  }
0x49: {  	_ =	shalt  }
0x4a: {  	_ =	shalt  }
0x4b: {  	_ =	shalt  }
0x4c: {  	_ =	shalt  }
0x4d: {  	_ =	shalt  }
0x4e: {  	_ =	shalt  }
0x4f: {  	_ =	shalt  }
0x50: {  	_ =	shalt  }
0x51: {  	_ =	shalt  }
0x52: {  	_ =	shalt  }
0x53: {  	_ =	shalt  }
0x54: {  	_ =	shalt  }
0x55: {  	_ =	shalt  }
0x56: {  	_ =	shalt  }
0x57: {  	_ =	shalt  }
0x58: {  	_ =	shalt  }
0x59: {  	_ =	shalt  }
0x5a: {  	_ =	shalt  }
0x5b: {  	_ =	shalt  }
0x5c: {  	_ =	shalt  }
0x5d: {  	_ =	shalt  }
0x5e: {  	_ =	shalt  }
0x5f: {  	_ =	shalt  }
0x60: {  	_ =	shalt  }
0x61: {  	_ =	shalt  }
0x62: {  	_ =	shalt  }
0x63: {  	_ =	shalt  }
0x64: {  	_ =	shalt  }
0x65: {  	_ =	shalt  }
0x66: {  	_ =	shalt  }
0x67: {  	_ =	shalt  }
0x68: {  	_ =	shalt  }
0x69: {  	_ =	shalt  }
0x6a: {  	_ =	shalt  }
0x6b: {  	_ =	shalt  }
0x6c: {  	_ =	shalt  }
0x6d: {  	_ =	shalt  }
0x6e: {  	_ =	shalt  }
0x6f: {  	_ =	shalt  }
0x70: {  	_ =	shalt  }
0x71: {  	_ =	shalt  }
0x72: {  	_ =	shalt  }
0x73: {  	_ =	shalt  }
0x74: {  	_ =	shalt  }
0x75: {  	_ =	shalt  }
0x76: {  	_ =	shalt  }
0x77: {  	_ =	shalt  }
0x78: {  	_ =	shalt  }
0x79: {  	_ =	shalt  }
0x7a: {  	_ =	shalt  }
0x7b: {  	_ =	shalt  }
0x7c: {  	_ =	shalt  }
0x7d: {  	_ =	shalt  }
0x7e: {  	_ =	shalt  }
0x7f: {  	_ =	shalt  }
0x80: {  	_ =	shalt  }
0x81: {  	_ =	shalt  }
0x82: {  	_ =	shalt  }
0x83: {  	_ =	shalt  }
0x84: {  	_ =	shalt  }
0x85: {  	_ =	shalt  }
0x86: {  	_ =	shalt  }
0x87: {  	_ =	shalt  }
.Lfunc_end0:
.L_simem_size_0:
called_computation_lowered:
.L_overlay_start_0:
0x88: {  	s2 =	sld [smem:$0x3FD9]  }
0x89: {  	s3 =	sld [smem:$0x3FFE];
	_ =	sdelay $0x1  }
0x8a: {  	s1 =	srdreg.scid  }
0x8b: {  	s0 =	sand.u32 $0x1, s1  }
0x8c: {  	s17 =	sshll.u32 s0, $0xA;
	s2 =	sadd.s32 s3, s2  }
0x8d: {  	s2 =	sadd.s32 s2, s17  }
0x8e: {  	[smem:$0x3FC6] =	sst s2  }
0x8f: {  	_ = 	snop  }
0x90: {  	s2 =	sld [smem:$0x3FC8]  }
0x91: {  	s18 =	sld [smem:$0x3FD0];
	(tm) =	ssettm $0x1  }
0x92: {  	s4 =	sld [smem:$0x3FFB];
	_ =	sdelay $0x3  }
0x93: {  	_ =	strace s4  }
0x94: {  	s4 =	sld [smem:$0x3FFC];
	_ =	sdelay $0x3  }
0x95: {  	_ =	strace s4  }
0x96: {  	s4 =	sld [smem:$0x3FFD];
	_ =	sdelay $0x3  }
0x97: {  	_ =	strace s4  }
0x98: {  	_ =	strace $0x8FFFFFFF  }
0x99: {  	s19 =	sld [smem:$0x3FDB];
	_ =	sdelay $0x1  }
0x9a: {  	s5 =	simm.s32 $_scs_section_size  }
0x9b: {  	s6 =	simm.s32 $_size__tile_overlayer_lowered;
	s7 =	simm.s32 $_tile_overlayer_lowered  }
0x9c: {  	s22 =	simm.s32 $0x1BFF;
	s21 =	sshll.u32 s7, $0x1;
	s4 =	sadd.s32 s5, s19  }
0x9d: {  	s8 =	simm.s32 $0x0;
	s20 =	sshll.u32 s6, $0x1;
	s6 =	sadd.s32 s21, s4  }
0x9e: {  	[timem:s8], [sflag:s22] =	dma.local [hbm:s6], s20  }
0x9f: {  	_ =	swait.ge [sflag:s22], s20  }
0xa0: {  	s5 =	ssub.s32 $0x0, s20;
	[sflag:s22] =	ssyncset.done $0x0  }
0xa1: {  	[sflag:s22] =	ssyncadd.s32 s5;
	_ =	sdelay $0x1  }
0xa2: {  	s23 =	simm.s32 $0x1B8B  }
0xa3: {  	_ =	swait.ge [sflag:s23], $0x1  }
0xa4: {  	[sflag:s23] =	ssyncset.done $0x0  }
0xa5: {  	s25 =	simm.s32 $0x1B8E;
	s24 =	sld [smem:$0x3FFE];
	[sflag:s23] =	ssyncadd.s32 $0xFFFFFFFF  }
0xa6: {  	s26 =	simm.s32 $execute0_lowered;
	[smem:$0x3FD2] =	sst s25  }
0xa7: {  	s6 =	sshll.u32 s26, $0x1;
	_ =	strace $0x80000046;
	[dreg:$0x1] =	wrdreg $0xFFFFFFFF  }
0xa8: {  	s28 =	simm.s32 $_size_execute0_lowered;
	s4 =	sadd.s32 s4, s6;
	[dreg:$0x0] =	wrdreg $0x0  }
0xa9: {  	s6 =	sshll.u32 s28, $0x1;
	[dreg:$0x2] =	wrdreg s4  }
0xaa: {  	[dreg:$0x3] =	wrdreg s6  }
0xab: {  	[dreg:$0x4] =	wrdreg $0xC0  }
0xac: {  	_ =	task [dreg:s8], $0x5FFFF  }
0xad: {  	[dreg:$0x1] =	wrdreg $0xFFFFFFFF  }
0xae: {  	[dreg:$0x0] =	wrdreg $0x60  }
0xaf: {  	[dreg:$0x2] =	wrdreg s24  }
0xb0: {  	[dreg:$0x3] =	wrdreg s2  }
0xb1: {  	[dreg:$0x4] =	wrdreg s18  }
0xb2: {  	[dreg:$0x5] =	wrdreg $0x9  }
0xb3: {  	_ =	task.clear_ibuf [dreg:s8], $0x6FFFF;
	_ =	strace $0x90000046  }
0xb4: {  	s29 =	simm.s32 $0x9;
	_ =	strace $0x80000048  }
0xb5: {  	_ =	swait.ge [sflag:s29], $0x1  }
0xb6: {  	[sflag:s29] =	ssyncadd.s32 $0xFFFFFFFF  }
0xb7: {  	_ =	strace $0x90000048  }
0xb8: {  	_ =	sfence  }
0xb9: {  	s30 =	sld [smem:$0x0];
	_ =	sdelay $0x2  }
0xba: {  	s31 =	sshll.u32 s1, $0xD;
	s1 =	sshrl.u32 s1, $0x2  }
0xbb: {  	s3 =	sand.u32 $0x4000, s31;
	s1 =	sadd.s32 s1, s30  }
0xbc: {  	s0 =	sor.u32 s3, s0;
	s1 =	sshll.u32 s1, $0x11  }
0xbd: {  	s0 =	sor.u32 s1, s0  }
0xbe: {  	s0 =	sadd.s32 $0x8F2B, s0  }
0xbf: {  	[sflag:s0] =	ssyncadd.remote.s32 $0x1  }
0xc0: {  	_ =	sfence.sel $0xFFFF  }
0xc1: {  	[dreg:$0x0] =	wrdreg $0xFFFFFFFF;
	(pc) =	sbr.abs _section_cstart, $3  }
0xc2: {  	[dreg:$0x1] =	wrdreg $0xFFFFFFFF  }
0xc3: {  	_ =	task.clear_ibuf [dreg:s8], $0x2FFFF;
	_ =	strace $0x9FFFFFFF  }
0xc4: {  	(tm) =	ssettm $0x7FFFFFFF  }
0xc5: {  	_ =	shalt  }
tec
execute0_lowered:
.L_overlay_start_1:
0x0: {  	(tag) =	ssettag $0x1  }
0x1: {  	s0 =	rddreg [dreg:$0x0]  }
0x2: {  	s2 =	rddreg [dreg:$0x1]  }
0x3: {  	s1 =	srdreg.scid;
	s4 =	stileid.u32  }
0x4: {  	s3 =	rddreg [dreg:$0x2];
	s12 =	simm.s32 $0x80;
	s13 =	simm.s32 $0x1C00  }
0x5: {  	s14 =	simm.s32 $0x5C00;
	s16 =	simm.s32 $0x9C00;
	s17 =	simm.s32 $0xDC00  }
0x6: {  	s18 =	simm.s32 $0x1;
	s19 =	simm.s32 $0x11C00;
	s20 =	simm.s32 $0x2  }
0x7: {  	s21 =	simm.s32 $0x3;
	s22 =	simm.s32 $0x4;
	s23 =	simm.s32 $0x5  }
0x8: {  	s25 =	simm.s32 $0x7;
	s26 =	simm.s32 $0x8;
	s28 =	simm.s32 $0x9  }
0x9: {  	s29 =	simm.s32 $0xA;
	s1 =	sand.u32 $0x1, s1;
	s4 =	sshll.u32 s4, $0x1  }
0xa: {  	s30 =	simm.s32 $0x0;
	s6 =	sor.u32 s1, s4;
	s1 =	ssub.s32 $0x2, s1  }
0xb: {  	s4 =	simm.s32 $0x0;
	s7 =	smul.u32 $0x380, s6;
	s8 =	sshrl.u32 s1, $0x1  }
0xc: {  	[smem:$0x7FF] =	sst s4;
	s5 =	smul.u32 $0x1900, s6;
	s1 =	ssub.s32 s1, s8  }
0xd: {  	s9 =	smul.u32 $0xC8000, s6;
	s0 =	sadd.s32 s7, s0;
	s31 =	smax.u32 s1, $0x1  }
0xe: {  	_ =	strace $0x80000047;
	s0 =	sadd.s32 $0x400, s0;
	[dreg:$0x5] =	wrdreg s31  }
0xf: {  	s7 =	sor.u32 $0x80, s5;
	s8 =	sadd.s32 $0x100, s5;
	[dreg:$0x4] =	wrdreg s0  }
.LBB2_1:
0x10: {  	s0 =	rddreg [dreg:$0x4];
	s15 =	simm.s32 $0xB  }
0x11: {  	[tilespmem:s4], [sflag:$0xB] =	stream.linear.gather [hbm4b:s0+s4], $0x1900, $0x38;
	[tilespmem:$0x15C00] =	vst v63  }
0x12: {  	_ =	swait.ge [sflag:s15], $0x1900  }
0x13: {  	[sflag:s15] =	ssyncset.done $0x0  }
0x14: {  	[sflag:s15] =	ssyncadd.s32 $0xFFFFE700  }
0x15: {  	[tilespmem:s13], [sflag:$0x1] =	stream.indirect.gather [hbm4b:s2+s12], $0x80, s4, s12, $0xb8;
	[tilespmem:$0x15C00] =	vst v63  }
0x16: {  	_ = 	snop  }
0x17: {  	[tilespmem:s14], [sflag:$0x2] =	stream.indirect.gather [hbm4b:s2+s12], $0x80, s12, s12, $0xb8;
	[tilespmem:$0x15C00] =	vst v63  }
0x18: {  	s24 =	simm.s32 $0x100;
	s31 =	simm.s32 $0x0  }
0x19: {  	[tilespmem:s16], [sflag:$0x3] =	stream.indirect.gather [hbm4b:s2+s12], $0x80, s24, s12, $0xb8;
	[tilespmem:$0x15C00] =	vst v63  }
.LBB2_2:
0x1a: {  	s0 =	smul.u32 $0x5, s31;
	p0 =	seq.s32 s31, $0x0  }
0x1b: {  	s6 =	simm.s32 @!p0 $0x9  }
0x1c: {  	s1 =	sadd.s32 $0x3, s0;
	_ =	swait.ge @!p0 [sflag:s6], $0x4000  }
0x1d: {  	[sflag:s6] =	ssyncset.done @!p0 $0x0;
	s10 =	sshll.u32 s1, $0x7  }
0x1e: {  	[sflag:s6] =	ssyncadd.s32 @!p0 $0xFFFFC000;
	s24 =	sand.u32 $0x3FFFFF80, s10  }
0x1f: {  	[tilespmem:s17], [sflag:$0x4] =	stream.indirect.gather [hbm4b:s2+s12], $0x80, s24, s12, $0xb8;
	[tilespmem:$0x15C00] =	vst v63  }
0x20: {  	_ =	swait.ge [sflag:s18], $0x4000  }
0x21: {  	[sflag:s18] =	ssyncset.done $0x0  }
0x22: {  	s6 =	simm.s32 $0x0;
	[sflag:s18] =	ssyncadd.s32 $0xFFFFC000  }
0x23: {  	v2 =	vld [tilespmem:s6+$0x1C00]  }
0x24: {  	v5 =	vld [tilespmem:s6+$0x1C10]  }
0x25: {  	v4 =	vld [tilespmem:s6+$0x1C20]  }
0x26: {  	v3 =	vld [tilespmem:s6+$0x1C30]  }
0x27: {  	v0 =	vld [tilespmem:s6+$0x1C40]  }
0x28: {  	v1 =	vld [tilespmem:s6+$0x1C50];
	v6 =	vmul.f32 $1.131370830e+01, v2  }
0x29: {  	s10 =	simm.s32 $0x200;
	v5 =	vmul.f32 $1.131370830e+01, v5;
	v2 =	vld [tilespmem:s6+$0x1C60]  }
.LBB2_3:
0x2a: {  	s11 =	sshra.s32 s10, $0x2;
	p1 =	sne.s32 s10, $0xFE00;
	[tilespmem:s6+$0x1C00] =	vst v6;
	v4 =	vmul.f32 $1.131370830e+01, v4;
	v6 =	vld [tilespmem:s6+$0x1C70]  }
0x2b: {  	v7 =	vld [tilespmem:s11+$0x1C00];
	[tilespmem:s6+$0x1C10] =	vst v5;
	v3 =	vmul.f32 $1.131370830e+01, v3  }
0x2c: {  	v5 =	vld [tilespmem:s11+$0x1C10];
	[tilespmem:s6+$0x1C20] =	vst v4;
	v0 =	vmul.f32 $1.131370830e+01, v0  }
.Ltmp0:
0x2d: {  	v4 =	vld [tilespmem:s11+$0x1C20];
	[tilespmem:s6+$0x1C30] =	vst v3;
	v1 =	vmul.f32 $1.131370830e+01, v1;
	(pc) =	sbr.rel @p1 .LBB2_3-.Ltmp0, $4  }
0x2e: {  	v3 =	vld [tilespmem:s11+$0x1C30];
	[tilespmem:s6+$0x1C40] =	vst v0;
	v2 =	vmul.f32 $1.131370830e+01, v2  }
0x2f: {  	v0 =	vld [tilespmem:s11+$0x1C40];
	[tilespmem:s6+$0x1C50] =	vst v1;
	v8 =	vmul.f32 $1.131370830e+01, v6  }
0x30: {  	v6 =	vmul.f32 $1.131370830e+01, v7;
	v1 =	vld [tilespmem:s11+$0x1C50];
	[tilespmem:s6+$0x1C60] =	vst v2  }
0x31: {  	s10 =	sadd.s32 $0x200, s10;
	v5 =	vmul.f32 $1.131370830e+01, v5;
	v2 =	vld [tilespmem:s11+$0x1C60];
	[tilespmem:s6+$0x1C70] =	vst v8;
	s6 =	smov.u32 s11  }
0x32: {  	[tilespmem:s6+$0x1C00] =	vst v6;
	v4 =	vmul.f32 $1.131370830e+01, v4;
	v6 =	vld [tilespmem:s6+$0x1C70]  }
0x33: {  	[tilespmem:s6+$0x1C10] =	vst v5;
	v3 =	vmul.f32 $1.131370830e+01, v3  }
0x34: {  	[tilespmem:s6+$0x1C20] =	vst v4;
	v0 =	vmul.f32 $1.131370830e+01, v0  }
0x35: {  	s15 =	smul.u32 $0x280, s31;
	[tilespmem:s6+$0x1C30] =	vst v3;
	v1 =	vmul.f32 $1.131370830e+01, v1  }
0x36: {  	[tilespmem:s6+$0x1C40] =	vst v0;
	v0 =	vmul.f32 $1.131370830e+01, v2  }
0x37: {  	s10 =	sadd.s32 s5, s15;
	[tilespmem:s6+$0x1C50] =	vst v1;
	v1 =	vmul.f32 $1.131370830e+01, v6  }
0x38: {  	s10 =	sshll.u32 s10, $0x4;
	[tilespmem:s6+$0x1C60] =	vst v0  }
0x39: {  	s10 =	sadd.s32 s3, s10;
	[tilespmem:s6+$0x1C70] =	vst v1;
	s6 =	simm.s32 @!p0 $0xA  }
0x3a: {  	[hbm4b:s10+s4] =	stream.linear.scatter [tilespmem:s13], [sflag:$0x6], $0x4000, $0x38;
	[tilespmem:$0x15C00] =	vst v63  }
0x3b: {  	s0 =	sadd.s32 $0x4, s0;
	_ =	swait.ge @!p0 [sflag:s6], $0x4000  }
0x3c: {  	s11 =	sshll.u32 s0, $0x7;
	[sflag:s6] =	ssyncset.done @!p0 $0x0  }
0x3d: {  	s24 =	sand.u32 $0x3FFFFF80, s11;
	[sflag:s6] =	ssyncadd.s32 @!p0 $0xFFFFC000  }
0x3e: {  	[tilespmem:s19], [sflag:$0x5] =	stream.indirect.gather [hbm4b:s2+s12], $0x80, s24, s12, $0xb8;
	[tilespmem:$0x15C00] =	vst v63  }
0x3f: {  	_ =	swait.ge [sflag:s20], $0x4000  }
0x40: {  	[sflag:s20] =	ssyncset.done $0x0  }
0x41: {  	s6 =	simm.s32 $0x0;
	[sflag:s20] =	ssyncadd.s32 $0xFFFFC000  }
0x42: {  	v3 =	vld [tilespmem:s6+$0x5C00]  }
0x43: {  	v5 =	vld [tilespmem:s6+$0x5C10]  }
0x44: {  	v4 =	vld [tilespmem:s6+$0x5C20]  }
0x45: {  	v2 =	vld [tilespmem:s6+$0x5C30]  }
0x46: {  	v0 =	vld [tilespmem:s6+$0x5C40]  }
0x47: {  	v1 =	vld [tilespmem:s6+$0x5C50];
	v6 =	vmul.f32 $1.131370830e+01, v3  }
0x48: {  	s10 =	simm.s32 $0x200;
	v5 =	vmul.f32 $1.131370830e+01, v5;
	v3 =	vld [tilespmem:s6+$0x5C60]  }
.LBB2_5:
0x49: {  	s11 =	sshra.s32 s10, $0x2;
	p0 =	sne.s32 s10, $0xFE00;
	[tilespmem:s6+$0x5C00] =	vst v6;
	v4 =	vmul.f32 $1.131370830e+01, v4;
	v6 =	vld [tilespmem:s6+$0x5C70]  }
0x4a: {  	v7 =	vld [tilespmem:s11+$0x5C00];
	[tilespmem:s6+$0x5C10] =	vst v5;
	v2 =	vmul.f32 $1.131370830e+01, v2  }
0x4b: {  	v5 =	vld [tilespmem:s11+$0x5C10];
	[tilespmem:s6+$0x5C20] =	vst v4;
	v0 =	vmul.f32 $1.131370830e+01, v0  }
.Ltmp1:
0x4c: {  	v4 =	vld [tilespmem:s11+$0x5C20];
	[tilespmem:s6+$0x5C30] =	vst v2;
	v1 =	vmul.f32 $1.131370830e+01, v1;
	(pc) =	sbr.rel @p0 .LBB2_5-.Ltmp1, $4  }
0x4d: {  	v2 =	vld [tilespmem:s11+$0x5C30];
	[tilespmem:s6+$0x5C40] =	vst v0;
	v3 =	vmul.f32 $1.131370830e+01, v3  }
0x4e: {  	v0 =	vld [tilespmem:s11+$0x5C40];
	[tilespmem:s6+$0x5C50] =	vst v1;
	v8 =	vmul.f32 $1.131370830e+01, v6  }
0x4f: {  	v6 =	vmul.f32 $1.131370830e+01, v7;
	v1 =	vld [tilespmem:s11+$0x5C50];
	[tilespmem:s6+$0x5C60] =	vst v3  }
0x50: {  	s10 =	sadd.s32 $0x200, s10;
	v5 =	vmul.f32 $1.131370830e+01, v5;
	v3 =	vld [tilespmem:s11+$0x5C60];
	[tilespmem:s6+$0x5C70] =	vst v8;
	s6 =	smov.u32 s11  }
0x51: {  	[tilespmem:s6+$0x5C00] =	vst v6;
	v4 =	vmul.f32 $1.131370830e+01, v4;
	v6 =	vld [tilespmem:s6+$0x5C70]  }
0x52: {  	[tilespmem:s6+$0x5C10] =	vst v5;
	v2 =	vmul.f32 $1.131370830e+01, v2  }
0x53: {  	[tilespmem:s6+$0x5C20] =	vst v4;
	v0 =	vmul.f32 $1.131370830e+01, v0  }
0x54: {  	[tilespmem:s6+$0x5C30] =	vst v2;
	v1 =	vmul.f32 $1.131370830e+01, v1  }
0x55: {  	[tilespmem:s6+$0x5C40] =	vst v0;
	v0 =	vmul.f32 $1.131370830e+01, v3  }
0x56: {  	s10 =	sadd.s32 s15, s7;
	[tilespmem:s6+$0x5C50] =	vst v1;
	v1 =	vmul.f32 $1.131370830e+01, v6  }
0x57: {  	p0 =	seq.s32 s31, $0x9;
	s10 =	sshll.u32 s10, $0x4;
	[tilespmem:s6+$0x5C60] =	vst v0  }
0x58: {  	s24 =	sadd.s32 s3, s10;
	[tilespmem:s6+$0x5C70] =	vst v1;
	s6 =	simm.s32 @!p0 $0x6  }
0x59: {  	[hbm4b:s24+s4] =	stream.linear.scatter [tilespmem:s14], [sflag:$0x7], $0x4000, $0x38;
	[tilespmem:$0x15C00] =	vst v63  }
0x5a: {  	s10 =	smul.u32 @!p0 $0xA00, s31;
	_ =	swait.ge @!p0 [sflag:s6], $0x4000  }
0x5b: {  	[sflag:s6] =	ssyncset.done @!p0 $0x0  }
0x5c: {  	[sflag:s6] =	ssyncadd.s32 @!p0 $0xFFFFC000;
	s6 =	sshra.s32 @!p0 s10, $0x2  }
0x5d: {  	s11 =	simm.s32 @!p0 $0x80;
	s24 =	simm.s32 @!p0 $0x1C00;
	s10 =	sadd.s32 @!p0 $0x280, s6  }
0x5e: {  	[tilespmem:s24], [sflag:$0x1] =	stream.indirect.gather @!p0 [hbm4b:s2+s11], $0x80, s10, s11, $0xb8;
	[tilespmem:$0x15C00] =	vst v63  }
0x5f: {  	_ =	swait.ge [sflag:s21], $0x4000  }
0x60: {  	[sflag:s21] =	ssyncset.done $0x0  }
0x61: {  	s10 =	simm.s32 $0x0;
	[sflag:s21] =	ssyncadd.s32 $0xFFFFC000  }
0x62: {  	v3 =	vld [tilespmem:s10+$0x9C00]  }
0x63: {  	v5 =	vld [tilespmem:s10+$0x9C10]  }
0x64: {  	v4 =	vld [tilespmem:s10+$0x9C20]  }
0x65: {  	v2 =	vld [tilespmem:s10+$0x9C30]  }
0x66: {  	v0 =	vld [tilespmem:s10+$0x9C40]  }
0x67: {  	v1 =	vld [tilespmem:s10+$0x9C50];
	v6 =	vmul.f32 $1.131370830e+01, v3  }
0x68: {  	s11 =	simm.s32 $0x200;
	v5 =	vmul.f32 $1.131370830e+01, v5;
	v3 =	vld [tilespmem:s10+$0x9C60]  }
.LBB2_7:
0x69: {  	s24 =	sshra.s32 s11, $0x2;
	p1 =	sne.s32 s11, $0xFE00;
	[tilespmem:s10+$0x9C00] =	vst v6;
	v4 =	vmul.f32 $1.131370830e+01, v4;
	v6 =	vld [tilespmem:s10+$0x9C70]  }
0x6a: {  	v7 =	vld [tilespmem:s24+$0x9C00];
	[tilespmem:s10+$0x9C10] =	vst v5;
	v2 =	vmul.f32 $1.131370830e+01, v2  }
0x6b: {  	v5 =	vld [tilespmem:s24+$0x9C10];
	[tilespmem:s10+$0x9C20] =	vst v4;
	v0 =	vmul.f32 $1.131370830e+01, v0  }
.Ltmp2:
0x6c: {  	v4 =	vld [tilespmem:s24+$0x9C20];
	[tilespmem:s10+$0x9C30] =	vst v2;
	v1 =	vmul.f32 $1.131370830e+01, v1;
	(pc) =	sbr.rel @p1 .LBB2_7-.Ltmp2, $4  }
0x6d: {  	v2 =	vld [tilespmem:s24+$0x9C30];
	[tilespmem:s10+$0x9C40] =	vst v0;
	v3 =	vmul.f32 $1.131370830e+01, v3  }
0x6e: {  	v0 =	vld [tilespmem:s24+$0x9C40];
	[tilespmem:s10+$0x9C50] =	vst v1;
	v8 =	vmul.f32 $1.131370830e+01, v6  }
0x6f: {  	v6 =	vmul.f32 $1.131370830e+01, v7;
	v1 =	vld [tilespmem:s24+$0x9C50];
	[tilespmem:s10+$0x9C60] =	vst v3  }
0x70: {  	s11 =	sadd.s32 $0x200, s11;
	v5 =	vmul.f32 $1.131370830e+01, v5;
	v3 =	vld [tilespmem:s24+$0x9C60];
	[tilespmem:s10+$0x9C70] =	vst v8;
	s10 =	smov.u32 s24  }
0x71: {  	[tilespmem:s10+$0x9C00] =	vst v6;
	v4 =	vmul.f32 $1.131370830e+01, v4;
	v6 =	vld [tilespmem:s10+$0x9C70]  }
0x72: {  	[tilespmem:s10+$0x9C10] =	vst v5;
	v2 =	vmul.f32 $1.131370830e+01, v2  }
0x73: {  	[tilespmem:s10+$0x9C20] =	vst v4;
	v0 =	vmul.f32 $1.131370830e+01, v0  }
0x74: {  	[tilespmem:s10+$0x9C30] =	vst v2;
	v1 =	vmul.f32 $1.131370830e+01, v1  }
0x75: {  	[tilespmem:s10+$0x9C40] =	vst v0;
	v0 =	vmul.f32 $1.131370830e+01, v3  }
0x76: {  	s11 =	sadd.s32 s15, s8;
	[tilespmem:s10+$0x9C50] =	vst v1;
	v1 =	vmul.f32 $1.131370830e+01, v6  }
0x77: {  	s11 =	sshll.u32 s11, $0x4;
	[tilespmem:s10+$0x9C60] =	vst v0  }
0x78: {  	s24 =	sadd.s32 s3, s11;
	[tilespmem:s10+$0x9C70] =	vst v1;
	s10 =	simm.s32 @!p0 $0x7  }
0x79: {  	[hbm4b:s24+s4] =	stream.linear.scatter [tilespmem:s16], [sflag:$0x8], $0x4000, $0x38;
	[tilespmem:$0x15C00] =	vst v63  }
0x7a: {  	_ =	swait.ge @!p0 [sflag:s10], $0x4000  }
0x7b: {  	s15 =	simm.s32 @!p0 $0x5C00;
	[sflag:s10] =	ssyncset.done @!p0 $0x0  }
0x7c: {  	s11 =	simm.s32 @!p0 $0x80;
	[sflag:s10] =	ssyncadd.s32 @!p0 $0xFFFFC000;
	s10 =	sadd.s32 @!p0 $0x300, s6  }
0x7d: {  	[tilespmem:s15], [sflag:$0x2] =	stream.indirect.gather @!p0 [hbm4b:s2+s11], $0x80, s10, s11, $0xb8;
	[tilespmem:$0x15C00] =	vst v63  }
0x7e: {  	_ =	swait.ge [sflag:s22], $0x4000  }
0x7f: {  	[sflag:s22] =	ssyncset.done $0x0  }
0x80: {  	s15 =	simm.s32 $0x0;
	[sflag:s22] =	ssyncadd.s32 $0xFFFFC000  }
0x81: {  	v3 =	vld [tilespmem:s15+$0xDC00]  }
0x82: {  	v5 =	vld [tilespmem:s15+$0xDC10]  }
0x83: {  	v4 =	vld [tilespmem:s15+$0xDC20]  }
0x84: {  	v2 =	vld [tilespmem:s15+$0xDC30]  }
0x85: {  	v0 =	vld [tilespmem:s15+$0xDC40]  }
0x86: {  	v1 =	vld [tilespmem:s15+$0xDC50];
	v6 =	vmul.f32 $1.131370830e+01, v3  }
0x87: {  	s10 =	simm.s32 $0x200;
	v5 =	vmul.f32 $1.131370830e+01, v5;
	v3 =	vld [tilespmem:s15+$0xDC60]  }
.LBB2_9:
0x88: {  	s11 =	sshra.s32 s10, $0x2;
	p1 =	sne.s32 s10, $0xFE00;
	[tilespmem:s15+$0xDC00] =	vst v6;
	v4 =	vmul.f32 $1.131370830e+01, v4;
	v6 =	vld [tilespmem:s15+$0xDC70]  }
0x89: {  	v7 =	vld [tilespmem:s11+$0xDC00];
	[tilespmem:s15+$0xDC10] =	vst v5;
	v2 =	vmul.f32 $1.131370830e+01, v2  }
0x8a: {  	v5 =	vld [tilespmem:s11+$0xDC10];
	[tilespmem:s15+$0xDC20] =	vst v4;
	v0 =	vmul.f32 $1.131370830e+01, v0  }
.Ltmp3:
0x8b: {  	v4 =	vld [tilespmem:s11+$0xDC20];
	[tilespmem:s15+$0xDC30] =	vst v2;
	v1 =	vmul.f32 $1.131370830e+01, v1;
	(pc) =	sbr.rel @p1 .LBB2_9-.Ltmp3, $4  }
0x8c: {  	v2 =	vld [tilespmem:s11+$0xDC30];
	[tilespmem:s15+$0xDC40] =	vst v0;
	v3 =	vmul.f32 $1.131370830e+01, v3  }
0x8d: {  	v0 =	vld [tilespmem:s11+$0xDC40];
	[tilespmem:s15+$0xDC50] =	vst v1;
	v8 =	vmul.f32 $1.131370830e+01, v6  }
0x8e: {  	v6 =	vmul.f32 $1.131370830e+01, v7;
	v1 =	vld [tilespmem:s11+$0xDC50];
	[tilespmem:s15+$0xDC60] =	vst v3  }
0x8f: {  	s10 =	sadd.s32 $0x200, s10;
	v5 =	vmul.f32 $1.131370830e+01, v5;
	v3 =	vld [tilespmem:s11+$0xDC60];
	[tilespmem:s15+$0xDC70] =	vst v8;
	s15 =	smov.u32 s11  }
0x90: {  	[tilespmem:s15+$0xDC00] =	vst v6;
	v4 =	vmul.f32 $1.131370830e+01, v4;
	v6 =	vld [tilespmem:s15+$0xDC70]  }
0x91: {  	[tilespmem:s15+$0xDC10] =	vst v5;
	v2 =	vmul.f32 $1.131370830e+01, v2  }
0x92: {  	[tilespmem:s15+$0xDC20] =	vst v4;
	v0 =	vmul.f32 $1.131370830e+01, v0  }
0x93: {  	[tilespmem:s15+$0xDC30] =	vst v2;
	v1 =	vmul.f32 $1.131370830e+01, v1  }
0x94: {  	s1 =	sshll.u32 s1, $0xE;
	[tilespmem:s15+$0xDC40] =	vst v0;
	v0 =	vmul.f32 $1.131370830e+01, v3  }
0x95: {  	s1 =	sadd.s32 s9, s1;
	[tilespmem:s15+$0xDC50] =	vst v1;
	v1 =	vmul.f32 $1.131370830e+01, v6  }
0x96: {  	s1 =	sshrl.u32 s1, $0x3;
	[tilespmem:s15+$0xDC60] =	vst v0  }
0x97: {  	s1 =	sadd.s32 s3, s1;
	[tilespmem:s15+$0xDC70] =	vst v1  }
0x98: {  	[hbm4b:s1+s4] =	stream.linear.scatter [tilespmem:s17], [sflag:$0x9], $0x4000, $0x38;
	[tilespmem:$0x15C00] =	vst v63  }
0x99: {  	s1 =	simm.s32 @!p0 $0x8  }
0x9a: {  	_ =	swait.ge @!p0 [sflag:s1], $0x4000  }
0x9b: {  	s10 =	simm.s32 @!p0 $0x9C00;
	[sflag:s1] =	ssyncset.done @!p0 $0x0  }
0x9c: {  	[sflag:s1] =	ssyncadd.s32 @!p0 $0xFFFFC000;
	s1 =	sadd.s32 @!p0 $0x380, s6;
	s6 =	simm.s32 @!p0 $0x80  }
0x9d: {  	[tilespmem:s10], [sflag:$0x3] =	stream.indirect.gather @!p0 [hbm4b:s2+s6], $0x80, s1, s6, $0xb8;
	[tilespmem:$0x15C00] =	vst v63  }
0x9e: {  	_ =	swait.ge [sflag:s23], $0x4000  }
0x9f: {  	[sflag:s23] =	ssyncset.done $0x0  }
0xa0: {  	s1 =	simm.s32 $0x0;
	[sflag:s23] =	ssyncadd.s32 $0xFFFFC000  }
0xa1: {  	v3 =	vld [tilespmem:s1+$0x11C00]  }
0xa2: {  	v5 =	vld [tilespmem:s1+$0x11C10]  }
0xa3: {  	v4 =	vld [tilespmem:s1+$0x11C20]  }
0xa4: {  	v2 =	vld [tilespmem:s1+$0x11C30]  }
0xa5: {  	v0 =	vld [tilespmem:s1+$0x11C40]  }
0xa6: {  	v1 =	vld [tilespmem:s1+$0x11C50];
	v6 =	vmul.f32 $1.131370830e+01, v3  }
0xa7: {  	s6 =	simm.s32 $0x200;
	v5 =	vmul.f32 $1.131370830e+01, v5;
	v3 =	vld [tilespmem:s1+$0x11C60]  }
.LBB2_11:
0xa8: {  	s10 =	sshra.s32 s6, $0x2;
	p0 =	sne.s32 s6, $0xFE00;
	[tilespmem:s1+$0x11C00] =	vst v6;
	v4 =	vmul.f32 $1.131370830e+01, v4;
	v6 =	vld [tilespmem:s1+$0x11C70]  }
0xa9: {  	v7 =	vld [tilespmem:s10+$0x11C00];
	[tilespmem:s1+$0x11C10] =	vst v5;
	v2 =	vmul.f32 $1.131370830e+01, v2  }
0xaa: {  	v5 =	vld [tilespmem:s10+$0x11C10];
	[tilespmem:s1+$0x11C20] =	vst v4;
	v0 =	vmul.f32 $1.131370830e+01, v0  }
.Ltmp4:
0xab: {  	v4 =	vld [tilespmem:s10+$0x11C20];
	[tilespmem:s1+$0x11C30] =	vst v2;
	v1 =	vmul.f32 $1.131370830e+01, v1;
	(pc) =	sbr.rel @p0 .LBB2_11-.Ltmp4, $4  }
0xac: {  	v2 =	vld [tilespmem:s10+$0x11C30];
	[tilespmem:s1+$0x11C40] =	vst v0;
	v3 =	vmul.f32 $1.131370830e+01, v3  }
0xad: {  	v0 =	vld [tilespmem:s10+$0x11C40];
	[tilespmem:s1+$0x11C50] =	vst v1;
	v8 =	vmul.f32 $1.131370830e+01, v6  }
0xae: {  	v6 =	vmul.f32 $1.131370830e+01, v7;
	v1 =	vld [tilespmem:s10+$0x11C50];
	[tilespmem:s1+$0x11C60] =	vst v3  }
0xaf: {  	s6 =	sadd.s32 $0x200, s6;
	v5 =	vmul.f32 $1.131370830e+01, v5;
	v3 =	vld [tilespmem:s10+$0x11C60];
	[tilespmem:s1+$0x11C70] =	vst v8;
	s1 =	smov.u32 s10  }
0xb0: {  	[tilespmem:s1+$0x11C00] =	vst v6;
	v4 =	vmul.f32 $1.131370830e+01, v4;
	v61 =	vld [tilespmem:s1+$0x11C70]  }
0xb1: {  	[tilespmem:s1+$0x11C10] =	vst v5;
	v2 =	vmul.f32 $1.131370830e+01, v2  }
0xb2: {  	s31 =	sadd.s32 $0x1, s31;
	[tilespmem:s1+$0x11C20] =	vst v4;
	v0 =	vmul.f32 $1.131370830e+01, v0  }
0xb3: {  	p0 =	sne.s32 s31, $0xA;
	[tilespmem:s1+$0x11C30] =	vst v2;
	v1 =	vmul.f32 $1.131370830e+01, v1  }
.Ltmp5:
0xb4: {  	s0 =	sshll.u32 s0, $0xE;
	[tilespmem:s1+$0x11C40] =	vst v0;
	v62 =	vmul.f32 $1.131370830e+01, v3;
	(pc) =	sbr.rel @p0 .LBB2_2-.Ltmp5, $4  }
0xb5: {  	s0 =	sadd.s32 s9, s0;
	[tilespmem:s1+$0x11C50] =	vst v1;
	v63 =	vmul.f32 $1.131370830e+01, v61  }
0xb6: {  	s0 =	sshrl.u32 s0, $0x3;
	[tilespmem:s1+$0x11C60] =	vst v62  }
0xb7: {  	s0 =	sadd.s32 s3, s0;
	[tilespmem:s1+$0x11C70] =	vst v63  }
0xb8: {  	[hbm4b:s0+s4] =	stream.linear.scatter [tilespmem:s19], [sflag:$0xA], $0x4000, $0x38;
	[tilespmem:$0x15C00] =	vst v63  }
0xb9: {  	s0 =	simm.s32 $0x6  }
0xba: {  	_ =	swait.ge [sflag:s0], $0x4000  }
0xbb: {  	[sflag:s0] =	ssyncset.done $0x0  }
0xbc: {  	[sflag:s0] =	ssyncadd.s32 $0xFFFFC000  }
0xbd: {  	_ =	swait.ge [sflag:s25], $0x4000  }
0xbe: {  	[sflag:s25] =	ssyncset.done $0x0  }
0xbf: {  	[sflag:s25] =	ssyncadd.s32 $0xFFFFC000  }
0xc0: {  	_ =	swait.ge [sflag:s26], $0x4000  }
0xc1: {  	[sflag:s26] =	ssyncset.done $0x0  }
0xc2: {  	[sflag:s26] =	ssyncadd.s32 $0xFFFFC000  }
0xc3: {  	_ =	swait.ge [sflag:s28], $0x4000  }
0xc4: {  	[sflag:s28] =	ssyncset.done $0x0  }
0xc5: {  	[sflag:s28] =	ssyncadd.s32 $0xFFFFC000  }
0xc6: {  	_ =	swait.ge [sflag:s29], $0x4000  }
0xc7: {  	s30 =	sadd.s32 $0x1, s30;
	s31 =	rddreg [dreg:$0x5]  }
0xc8: {  	p0 =	sne.s32 s30, s31  }
.Ltmp6:
0xc9: {  	_ = 	snop;
	(pc) =	sbr.rel @p0 .LBB2_1-.Ltmp6, $3  }
0xca: {  	_ =	sdelay $0x1  }
0xcb: {  	[sflag:s29] =	ssyncset.done $0x0  }
0xcc: {  	[sflag:s29] =	ssyncadd.s32 $0xFFFFC000  }
0xcd: {  	_ =	sfence.sel $0x180000  }
0xce: {  	[bflag:$0x0] =	sbarrier.arrive $0xFFFF  }
0xcf: {  	_ =	strace $0x90000047  }
0xd0: {  	s0 =	stileid.u32;
	[bflag:$0x2] =	sbarrier.arrive $0xFFFF  }
0xd1: {  	p0 =	sne.s32 s0, $0x0;
	s0 =	rddreg [dreg:$0x3]  }
0xd2: {  	s0 =	sadd.s32 @!p0 $0x100000, s0  }
0xd3: {  	[sflag:s0] =	ssyncadd.tile.s32 @!p0 $0x1;
	_ =	shalt  }
.Lfunc_end2:
_tile_overlayer_lowered:
.L_overlay_start_2:
0xd4: {  	(tag) =	ssettag $0x2  }
0xd5: {  	s0 =	rddreg [dreg:$0x0];
	s2 =	stileid.u32  }
0xd6: {  	s1 =	rddreg [dreg:$0x1];
	p0 =	sne.s32 s2, $0x0  }
0xd7: {  	s3 =	rddreg [dreg:$0x2];
	[bflag:$0x3] =	sbarrier.arrive $0xFFFF;
	s2 =	simm.s32 @!p0 $0x1C0B  }
0xd8: {  	[timem:s3], [sflag:s2] =	dma.local @!p0 [hbm:s0], s1  }
0xd9: {  	s0 =	simm.s32 @!p0 $0xB  }
0xda: {  	_ =	swait.ge @!p0 [sflag:s0], s1  }
0xdb: {  	s1 =	ssub.s32 @!p0 $0x0, s1;
	[sflag:s0] =	ssyncset.done @!p0 $0x0  }
0xdc: {  	[sflag:s0] =	ssyncadd.s32 @!p0 s1  }
0xdd: {  	[bflag:$0x3] =	sbarrier.arrive $0xFFFF  }
0xde: {  	_ =	shalt  }

</sc_bundles>
